<compile_context>
chip_gen: v7x
topology: tpu7x:2x2x1
jax: 0.10.2.dev20260603
libtpu: 0.0.44.dev20260713+nightly
codegen_flags: <defaults>
</compile_context>

<pallas_src>
import functools

import jax
import jax.numpy as jnp
from jax import lax
from jax.experimental import pallas as pl
from jax.experimental.pallas import tpu as pltpu
from jax.experimental.pallas import tpu_sc as plsc

L = 16
NBUF = 3
NPAIR = 8
UNROLL = 32
SC_SEQ = 1024
TC_BS = 64


def _lane_top2_insert(m1, m2, v):
    mn = jnp.minimum(m1, v)
    return jnp.maximum(m1, v), jnp.maximum(m2, mn)


def _pair_merge(a, b):
    a1, a2 = a
    b1, b2 = b
    hi = jnp.maximum(a1, b1)
    mid = jnp.minimum(a1, b1)
    lo = jnp.maximum(jnp.maximum(a2, b2), mid)
    return hi, lo


def _make_sc_kernel(V, n_workers, seq_len, sc_seq):
    mesh = plsc.VectorSubcoreMesh(core_axis_name="c", subcore_axis_name="s")
    num_cores = mesh.num_cores

    @functools.partial(
        pl.kernel,
        out_type=jax.ShapeDtypeStruct((n_workers, L), jnp.float32),
        mesh=mesh,
        compiler_params=pltpu.CompilerParams(needs_layout_passes=False),
        scratch_types=[
            pltpu.VMEM((V,), jnp.float32),
            pltpu.VMEM((V,), jnp.float32),
            pltpu.VMEM((V,), jnp.float32),
            pltpu.VMEM((L,), jnp.float32),
            pltpu.SemaphoreType.DMA,
            pltpu.SemaphoreType.DMA,
            pltpu.SemaphoreType.DMA,
        ],
    )
    def sc_kernel(x_hbm, out_hbm, buf0, buf1, buf2, outbuf, sem0, sem1, sem2):
        bufs = (buf0, buf1, buf2)
        sems = (sem0, sem1, sem2)
        wid = lax.axis_index("s") * num_cores + lax.axis_index("c")
        base = wid * seq_len

        for b in range(NBUF):
            pltpu.make_async_copy(x_hbm.at[base + b], bufs[b], sems[b]).start()

        neg = jnp.full((L,), -3.0e38, jnp.float32)

        def row_top2(b):
            def inner(i, carry):
                pairs = [list(carry[2 * j:2 * j + 2]) for j in range(NPAIR)]
                o = i * (UNROLL * L)
                for k in range(UNROLL):
                    v = bufs[b][pl.ds(o + k * L, L)]
                    j = k % NPAIR
                    pairs[j][0], pairs[j][1] = _lane_top2_insert(
                        pairs[j][0], pairs[j][1], v)
                return tuple(x for p in pairs for x in p)

            res = lax.fori_loop(0, V // (UNROLL * L), inner, (neg,) * (2 * NPAIR))
            pairs = [(res[2 * j], res[2 * j + 1]) for j in range(NPAIR)]
            while len(pairs) > 1:
                pairs = [_pair_merge(pairs[i], pairs[i + 1])
                         for i in range(0, len(pairs), 2)]
            m1, m2 = pairs[0]

            top1 = jnp.max(m1)
            eq = m1 == top1
            firsts = jnp.cumsum(eq.astype(jnp.int32))
            first = jnp.logical_and(eq, firsts == 1)
            merged = jnp.where(first, m2, m1)
            top2 = jnp.max(merged)
            return top1 - top2

        def outer(g, acc):
            for b in range(NBUF):
                pltpu.make_async_copy(x_hbm.at[base], bufs[b], sems[b]).wait()
                gap = row_top2(b)
                acc = acc + gap
                nxt = g * NBUF + b + NBUF

                @pl.when(nxt < sc_seq)
                def _():
                    pltpu.make_async_copy(
                        x_hbm.at[base + nxt], bufs[b], sems[b]).start()
            return acc

        acc = lax.fori_loop(0, sc_seq // NBUF, outer,
                            jnp.zeros((L,), jnp.float32))
        for b in range(sc_seq % NBUF):
            pltpu.make_async_copy(x_hbm.at[base], bufs[b], sems[b]).wait()
            acc = acc + row_top2(b)
        outbuf[...] = acc
        pltpu.sync_copy(outbuf, out_hbm.at[wid])

    return sc_kernel


def _make_tc_kernel(B, S, V, s0, bs):
    nblk = (S - s0) // bs

    def tc_body(x_ref, o_ref):
        j = pl.program_id(1)
        x = x_ref[...]
        neg = jnp.float32(-3.0e38)
        m1 = jnp.max(x, axis=-1)
        eq = x == m1[..., None]
        cnt = jnp.sum(eq.astype(jnp.float32), axis=-1)
        m2 = jnp.max(jnp.where(eq, neg, x), axis=-1)
        m2 = jnp.where(cnt > 1.5, m1, m2)
        gsum = jnp.sum(m1 - m2)

        @pl.when(j == 0)
        def _():
            o_ref[...] = jnp.zeros_like(o_ref)

        o_ref[...] += jnp.full((1, 1, 128), gsum, jnp.float32)

    return pl.pallas_call(
        tc_body,
        grid=(B, nblk),
        in_specs=[pl.BlockSpec((1, bs, V), lambda b, j: (b, s0 // bs + j, 0))],
        out_specs=pl.BlockSpec((1, 1, 128), lambda b, j: (b, 0, 0)),
        out_shape=jax.ShapeDtypeStruct((B, 1, 128), jnp.float32),
    )


def kernel(logits):
    B, S, V = logits.shape
    n_workers = 2 * 16
    x = logits.reshape(B * S, V)
    sc_sum = _make_sc_kernel(V, n_workers, S, SC_SEQ)(x)[:, 0]
    if SC_SEQ < S:
        tc_sum = _make_tc_kernel(B, S, V, SC_SEQ, TC_BS)(logits)[:, 0, 0]
        gap = (sc_sum + tc_sum) * jnp.float32(1.0 / S)
    else:
        gap = sc_sum * jnp.float32(1.0 / S)
    avg_gap = jnp.mean(gap)
    should_exit = avg_gap >= jnp.float32(7.5)
    return gap, avg_gap, should_exit

# --- scband reference (transcript-rebuilt; emitter-appended) ---
"""Pipeline reference for scband-prophet-early-exit-64819646431744 (READ-ONLY COPY).

The authoritative reference and input builder live on the scoring server;
editing this copy changes nothing except your own understanding.
"""

import jax, jax.numpy as jnp
import numpy as np

B, S, V = 32, 2048, 32768

def setup_inputs(seed: int = 0) -> dict:
    key = jax.random.key(seed)
    logits = jax.random.normal(key, (B, S, V), dtype=jnp.float32)
    return {"logits": logits}

def reference(logits):
    # compute_confidence_gap: top1 - top2 logits, averaged over sequence
    top2_vals, _ = jax.lax.top_k(logits, 2)
    gaps = top2_vals[..., 0] - top2_vals[..., 1]
    gap = gaps.mean(axis=-1)  # [B]
    # should_exit logic (step=15, total_steps=50 -> progress=0.3 -> threshold_early=7.5)
    avg_gap = gap.mean()
    threshold = 7.5
    should_exit = avg_gap >= threshold
    return (gap, avg_gap, should_exit)

if __name__ == "__main__":
    import jax
    _d = setup_inputs()
    print(jax.jit(kernel)(*tuple(_d.values())))

</pallas_src>

<mosaic_0001>
#map = affine_map<(d0, d1) -> (0, 0)>
module attributes {stable_mosaic.version = 14 : i64} {
  func.func @sc_kernel(%arg0: i32, %arg1: i32, %arg2: memref<65536x32768xf32, #tpu.memory_space<hbm>>, %arg3: memref<32x16xf32, #tpu.memory_space<hbm>>, %arg4: memref<32768xf32, #tpu.memory_space<vmem>>, %arg5: memref<32768xf32, #tpu.memory_space<vmem>>, %arg6: memref<32768xf32, #tpu.memory_space<vmem>>, %arg7: memref<16xf32, #tpu.memory_space<vmem>>, %arg8: memref<!tpu.dma_semaphore, #tpu.memory_space<semaphore_mem>>, %arg9: memref<!tpu.dma_semaphore, #tpu.memory_space<semaphore_mem>>, %arg10: memref<!tpu.dma_semaphore, #tpu.memory_space<semaphore_mem>>) attributes {dimension_semantics = [#tpu.dimension_semantics<core_parallel>, #tpu.dimension_semantics<subcore_parallel>], iteration_bounds = array<i64: 2, 16>, scalar_prefetch = 0 : i64, scratch_operands = 7 : i64, tpu.core_type = #tpu.core_type<sc_vector_subcore>, window_params = [{transform_indices = #map}, {transform_indices = #map}]} {
    %mul3A = arith.constant 2 : i32
    %mul3A_0 = arith.muli %arg1, %mul3A : i32
    %add3A = arith.addi %mul3A_0, %arg0 : i32
    %mul3A_1 = arith.constant 2048 : i32
    %mul3A_2 = arith.muli %add3A, %mul3A_1 : i32
    %add3A_3 = arith.constant 0 : i32
    %add3A_4 = arith.addi %mul3A_2, %add3A_3 : i32
    %dma_start3A = arith.constant 0 : i32
    %dma_start3A_5 = tpu.memref_slice %arg2[%add3A_4, %dma_start3A] : memref<65536x32768xf32, #tpu.memory_space<hbm>> -> memref<1x32768xf32, #tpu.memory_space<hbm>>
    %dma_start3A_6 = tpu.memref_squeeze %dma_start3A_5 : memref<1x32768xf32, #tpu.memory_space<hbm>> -> memref<32768xf32, #tpu.memory_space<hbm>>
    %dma_start3A_7 = arith.constant 0 : i32
    %dma_start3A_8 = tpu.memref_slice %arg2[%add3A_4, %dma_start3A_7] : memref<65536x32768xf32, #tpu.memory_space<hbm>> -> memref<1x32768xf32, #tpu.memory_space<hbm>>
    %dma_start3A_9 = tpu.memref_squeeze %dma_start3A_8 : memref<1x32768xf32, #tpu.memory_space<hbm>> -> memref<32768xf32, #tpu.memory_space<hbm>>
    tpu.enqueue_dma source(%dma_start3A_9 : memref<32768xf32, #tpu.memory_space<hbm>>) target(%arg4 : memref<32768xf32, #tpu.memory_space<vmem>>) target_semaphore(%arg8 : memref<!tpu.dma_semaphore, #tpu.memory_space<semaphore_mem>>)
    %add3A_10 = arith.constant 1 : i32
    %add3A_11 = arith.addi %mul3A_2, %add3A_10 : i32
    %dma_start3A_12 = arith.constant 0 : i32
    %dma_start3A_13 = tpu.memref_slice %arg2[%add3A_11, %dma_start3A_12] : memref<65536x32768xf32, #tpu.memory_space<hbm>> -> memref<1x32768xf32, #tpu.memory_space<hbm>>
    %dma_start3A_14 = tpu.memref_squeeze %dma_start3A_13 : memref<1x32768xf32, #tpu.memory_space<hbm>> -> memref<32768xf32, #tpu.memory_space<hbm>>
    %dma_start3A_15 = arith.constant 0 : i32
    %dma_start3A_16 = tpu.memref_slice %arg2[%add3A_11, %dma_start3A_15] : memref<65536x32768xf32, #tpu.memory_space<hbm>> -> memref<1x32768xf32, #tpu.memory_space<hbm>>
    %dma_start3A_17 = tpu.memref_squeeze %dma_start3A_16 : memref<1x32768xf32, #tpu.memory_space<hbm>> -> memref<32768xf32, #tpu.memory_space<hbm>>
    tpu.enqueue_dma source(%dma_start3A_17 : memref<32768xf32, #tpu.memory_space<hbm>>) target(%arg5 : memref<32768xf32, #tpu.memory_space<vmem>>) target_semaphore(%arg9 : memref<!tpu.dma_semaphore, #tpu.memory_space<semaphore_mem>>)
    %add3A_18 = arith.constant 2 : i32
    %add3A_19 = arith.addi %mul3A_2, %add3A_18 : i32
    %dma_start3A_20 = arith.constant 0 : i32
    %dma_start3A_21 = tpu.memref_slice %arg2[%add3A_19, %dma_start3A_20] : memref<65536x32768xf32, #tpu.memory_space<hbm>> -> memref<1x32768xf32, #tpu.memory_space<hbm>>
    %dma_start3A_22 = tpu.memref_squeeze %dma_start3A_21 : memref<1x32768xf32, #tpu.memory_space<hbm>> -> memref<32768xf32, #tpu.memory_space<hbm>>
    %dma_start3A_23 = arith.constant 0 : i32
    %dma_start3A_24 = tpu.memref_slice %arg2[%add3A_19, %dma_start3A_23] : memref<65536x32768xf32, #tpu.memory_space<hbm>> -> memref<1x32768xf32, #tpu.memory_space<hbm>>
    %dma_start3A_25 = tpu.memref_squeeze %dma_start3A_24 : memref<1x32768xf32, #tpu.memory_space<hbm>> -> memref<32768xf32, #tpu.memory_space<hbm>>
    tpu.enqueue_dma source(%dma_start3A_25 : memref<32768xf32, #tpu.memory_space<hbm>>) target(%arg6 : memref<32768xf32, #tpu.memory_space<vmem>>) target_semaphore(%arg10 : memref<!tpu.dma_semaphore, #tpu.memory_space<semaphore_mem>>)
    %broadcast_in_dim3A = arith.constant -3.000000e+38 : f32
    %broadcast_in_dim3A_26 = vector.broadcast %broadcast_in_dim3A : f32 to vector<16xf32>
    %broadcast_in_dim3A_27 = arith.constant 0.000000e+00 : f32
    %broadcast_in_dim3A_28 = vector.broadcast %broadcast_in_dim3A_27 : f32 to vector<16xf32>
    %scan3A = arith.constant 0 : i32
    %scan3A_29 = arith.constant 341 : i32
    %scan3A_30 = arith.addi %scan3A, %scan3A_29 : i32
    %scan3A_31 = arith.constant 1 : i32
    %scan3A_32 = scf.for %scan3A_87 = %scan3A to %scan3A_30 step %scan3A_31 iter_args(%scan3A_88 = %broadcast_in_dim3A_28) -> (vector<16xf32>)  : i32 {
      %dma_wait3A_89 = arith.constant 0 : i32
      %dma_wait3A_90 = tpu.memref_slice %arg2[%mul3A_2, %dma_wait3A_89] : memref<65536x32768xf32, #tpu.memory_space<hbm>> -> memref<1x32768xf32, #tpu.memory_space<hbm>>
      %dma_wait3A_91 = tpu.memref_squeeze %dma_wait3A_90 : memref<1x32768xf32, #tpu.memory_space<hbm>> -> memref<32768xf32, #tpu.memory_space<hbm>>
      %dma_wait3A_92 = arith.constant 0 : i32
      %dma_wait3A_93 = tpu.memref_slice %arg2[%mul3A_2, %dma_wait3A_92] : memref<65536x32768xf32, #tpu.memory_space<hbm>> -> memref<1x32768xf32, #tpu.memory_space<hbm>>
      %dma_wait3A_94 = tpu.memref_squeeze %dma_wait3A_93 : memref<1x32768xf32, #tpu.memory_space<hbm>> -> memref<32768xf32, #tpu.memory_space<hbm>>
      tpu.wait_dma2 semaphore(%arg8 : memref<!tpu.dma_semaphore, #tpu.memory_space<semaphore_mem>>) src(%dma_wait3A_94 : memref<32768xf32, #tpu.memory_space<hbm>>) dst(%arg4 : memref<32768xf32, #tpu.memory_space<vmem>>)
      %scan3A_95 = arith.constant 0 : i32
      %scan3A_96 = arith.constant 64 : i32
      %scan3A_97 = arith.addi %scan3A_95, %scan3A_96 : i32
      %scan3A_98 = arith.constant 1 : i32
      %scan3A_99:16 = scf.for %scan3A_306 = %scan3A_95 to %scan3A_97 step %scan3A_98 iter_args(%scan3A_307 = %broadcast_in_dim3A_26, %scan3A_308 = %broadcast_in_dim3A_26, %scan3A_309 = %broadcast_in_dim3A_26, %scan3A_310 = %broadcast_in_dim3A_26, %scan3A_311 = %broadcast_in_dim3A_26, %scan3A_312 = %broadcast_in_dim3A_26, %scan3A_313 = %broadcast_in_dim3A_26, %scan3A_314 = %broadcast_in_dim3A_26, %scan3A_315 = %broadcast_in_dim3A_26, %scan3A_316 = %broadcast_in_dim3A_26, %scan3A_317 = %broadcast_in_dim3A_26, %scan3A_318 = %broadcast_in_dim3A_26, %scan3A_319 = %broadcast_in_dim3A_26, %scan3A_320 = %broadcast_in_dim3A_26, %scan3A_321 = %broadcast_in_dim3A_26, %scan3A_322 = %broadcast_in_dim3A_26) -> (vector<16xf32>, vector<16xf32>, vector<16xf32>, vector<16xf32>, vector<16xf32>, vector<16xf32>, vector<16xf32>, vector<16xf32>, vector<16xf32>, vector<16xf32>, vector<16xf32>, vector<16xf32>, vector<16xf32>, vector<16xf32>, vector<16xf32>, vector<16xf32>)  : i32 {
        %mul3A_323 = arith.constant 512 : i32
        %mul3A_324 = arith.muli %scan3A_306, %mul3A_323 : i32
        %add3A_325 = arith.constant 0 : i32
        %add3A_326 = arith.addi %mul3A_324, %add3A_325 : i32
        %get3A = arith.index_cast %add3A_326 : i32 to index
        %get3A_327 = tpu.vector_load %arg4[%get3A] {strides = array<i32>} : memref<32768xf32, #tpu.memory_space<vmem>>, vector<16xf32>,
        %min3A_328 = arith.minimumf %scan3A_307, %get3A_327 : vector<16xf32>
        %max3A_329 = arith.maximumf %scan3A_307, %get3A_327 : vector<16xf32>
        %max3A_330 = arith.maximumf %scan3A_308, %min3A_328 : vector<16xf32>
        %add3A_331 = arith.constant 16 : i32
        %add3A_332 = arith.addi %mul3A_324, %add3A_331 : i32
        %get3A_333 = arith.index_cast %add3A_332 : i32 to index
        %get3A_334 = tpu.vector_load %arg4[%get3A_333] {strides = array<i32>} : memref<32768xf32, #tpu.memory_space<vmem>>, vector<16xf32>,
        %min3A_335 = arith.minimumf %scan3A_309, %get3A_334 : vector<16xf32>
        %max3A_336 = arith.maximumf %scan3A_309, %get3A_334 : vector<16xf32>
        %max3A_337 = arith.maximumf %scan3A_310, %min3A_335 : vector<16xf32>
        %add3A_338 = arith.constant 32 : i32
        %add3A_339 = arith.addi %mul3A_324, %add3A_338 : i32
        %get3A_340 = arith.index_cast %add3A_339 : i32 to index
        %get3A_341 = tpu.vector_load %arg4[%get3A_340] {strides = array<i32>} : memref<32768xf32, #tpu.memory_space<vmem>>, vector<16xf32>,
        %min3A_342 = arith.minimumf %scan3A_311, %get3A_341 : vector<16xf32>
        %max3A_343 = arith.maximumf %scan3A_311, %get3A_341 : vector<16xf32>
        %max3A_344 = arith.maximumf %scan3A_312, %min3A_342 : vector<16xf32>
        %add3A_345 = arith.constant 48 : i32
        %add3A_346 = arith.addi %mul3A_324, %add3A_345 : i32
        %get3A_347 = arith.index_cast %add3A_346 : i32 to index
        %get3A_348 = tpu.vector_load %arg4[%get3A_347] {strides = array<i32>} : memref<32768xf32, #tpu.memory_space<vmem>>, vector<16xf32>,
        %min3A_349 = arith.minimumf %scan3A_313, %get3A_348 : vector<16xf32>
        %max3A_350 = arith.maximumf %scan3A_313, %get3A_348 : vector<16xf32>
        %max3A_351 = arith.maximumf %scan3A_314, %min3A_349 : vector<16xf32>
        %add3A_352 = arith.constant 64 : i32
        %add3A_353 = arith.addi %mul3A_324, %add3A_352 : i32
        %get3A_354 = arith.index_cast %add3A_353 : i32 to index
        %get3A_355 = tpu.vector_load %arg4[%get3A_354] {strides = array<i32>} : memref<32768xf32, #tpu.memory_space<vmem>>, vector<16xf32>,
        %min3A_356 = arith.minimumf %scan3A_315, %get3A_355 : vector<16xf32>
        %max3A_357 = arith.maximumf %scan3A_315, %get3A_355 : vector<16xf32>
        %max3A_358 = arith.maximumf %scan3A_316, %min3A_356 : vector<16xf32>
        %add3A_359 = arith.constant 80 : i32
        %add3A_360 = arith.addi %mul3A_324, %add3A_359 : i32
        %get3A_361 = arith.index_cast %add3A_360 : i32 to index
        %get3A_362 = tpu.vector_load %arg4[%get3A_361] {strides = array<i32>} : memref<32768xf32, #tpu.memory_space<vmem>>, vector<16xf32>,
        %min3A_363 = arith.minimumf %scan3A_317, %get3A_362 : vector<16xf32>
        %max3A_364 = arith.maximumf %scan3A_317, %get3A_362 : vector<16xf32>
        %max3A_365 = arith.maximumf %scan3A_318, %min3A_363 : vector<16xf32>
        %add3A_366 = arith.constant 96 : i32
        %add3A_367 = arith.addi %mul3A_324, %add3A_366 : i32
        %get3A_368 = arith.index_cast %add3A_367 : i32 to index
        %get3A_369 = tpu.vector_load %arg4[%get3A_368] {strides = array<i32>} : memref<32768xf32, #tpu.memory_space<vmem>>, vector<16xf32>,
        %min3A_370 = arith.minimumf %scan3A_319, %get3A_369 : vector<16xf32>
        %max3A_371 = arith.maximumf %scan3A_319, %get3A_369 : vector<16xf32>
        %max3A_372 = arith.maximumf %scan3A_320, %min3A_370 : vector<16xf32>
        %add3A_373 = arith.constant 112 : i32
        %add3A_374 = arith.addi %mul3A_324, %add3A_373 : i32
        %get3A_375 = arith.index_cast %add3A_374 : i32 to index
        %get3A_376 = tpu.vector_load %arg4[%get3A_375] {strides = array<i32>} : memref<32768xf32, #tpu.memory_space<vmem>>, vector<16xf32>,
        %min3A_377 = arith.minimumf %scan3A_321, %get3A_376 : vector<16xf32>
        %max3A_378 = arith.maximumf %scan3A_321, %get3A_376 : vector<16xf32>
        %max3A_379 = arith.maximumf %scan3A_322, %min3A_377 : vector<16xf32>
        %add3A_380 = arith.constant 128 : i32
        %add3A_381 = arith.addi %mul3A_324, %add3A_380 : i32
        %get3A_382 = arith.index_cast %add3A_381 : i32 to index
        %get3A_383 = tpu.vector_load %arg4[%get3A_382] {strides = array<i32>} : memref<32768xf32, #tpu.memory_space<vmem>>, vector<16xf32>,
        %min3A_384 = arith.minimumf %max3A_329, %get3A_383 : vector<16xf32>
        %max3A_385 = arith.maximumf %max3A_329, %get3A_383 : vector<16xf32>
        %max3A_386 = arith.maximumf %max3A_330, %min3A_384 : vector<16xf32>
        %add3A_387 = arith.constant 144 : i32
        %add3A_388 = arith.addi %mul3A_324, %add3A_387 : i32
        %get3A_389 = arith.index_cast %add3A_388 : i32 to index
        %get3A_390 = tpu.vector_load %arg4[%get3A_389] {strides = array<i32>} : memref<32768xf32, #tpu.memory_space<vmem>>, vector<16xf32>,
        %min3A_391 = arith.minimumf %max3A_336, %get3A_390 : vector<16xf32>
        %max3A_392 = arith.maximumf %max3A_336, %get3A_390 : vector<16xf32>
        %max3A_393 = arith.maximumf %max3A_337, %min3A_391 : vector<16xf32>
        %add3A_394 = arith.constant 160 : i32
        %add3A_395 = arith.addi %mul3A_324, %add3A_394 : i32
        %get3A_396 = arith.index_cast %add3A_395 : i32 to index
        %get3A_397 = tpu.vector_load %arg4[%get3A_396] {strides = array<i32>} : memref<32768xf32, #tpu.memory_space<vmem>>, vector<16xf32>,
        %min3A_398 = arith.minimumf %max3A_343, %get3A_397 : vector<16xf32>
        %max3A_399 = arith.maximumf %max3A_343, %get3A_397 : vector<16xf32>
        %max3A_400 = arith.maximumf %max3A_344, %min3A_398 : vector<16xf32>
        %add3A_401 = arith.constant 176 : i32
        %add3A_402 = arith.addi %mul3A_324, %add3A_401 : i32
        %get3A_403 = arith.index_cast %add3A_402 : i32 to index
        %get3A_404 = tpu.vector_load %arg4[%get3A_403] {strides = array<i32>} : memref<32768xf32, #tpu.memory_space<vmem>>, vector<16xf32>,
        %min3A_405 = arith.minimumf %max3A_350, %get3A_404 : vector<16xf32>
        %max3A_406 = arith.maximumf %max3A_350, %get3A_404 : vector<16xf32>
        %max3A_407 = arith.maximumf %max3A_351, %min3A_405 : vector<16xf32>
        %add3A_408 = arith.constant 192 : i32
        %add3A_409 = arith.addi %mul3A_324, %add3A_408 : i32
        %get3A_410 = arith.index_cast %add3A_409 : i32 to index
        %get3A_411 = tpu.vector_load %arg4[%get3A_410] {strides = array<i32>} : memref<32768xf32, #tpu.memory_space<vmem>>, vector<16xf32>,
        %min3A_412 = arith.minimumf %max3A_357, %get3A_411 : vector<16xf32>
        %max3A_413 = arith.maximumf %max3A_357, %get3A_411 : vector<16xf32>
        %max3A_414 = arith.maximumf %max3A_358, %min3A_412 : vector<16xf32>
        %add3A_415 = arith.constant 208 : i32
        %add3A_416 = arith.addi %mul3A_324, %add3A_415 : i32
        %get3A_417 = arith.index_cast %add3A_416 : i32 to index
        %get3A_418 = tpu.vector_load %arg4[%get3A_417] {strides = array<i32>} : memref<32768xf32, #tpu.memory_space<vmem>>, vector<16xf32>,
        %min3A_419 = arith.minimumf %max3A_364, %get3A_418 : vector<16xf32>
        %max3A_420 = arith.maximumf %max3A_364, %get3A_418 : vector<16xf32>
        %max3A_421 = arith.maximumf %max3A_365, %min3A_419 : vector<16xf32>
        %add3A_422 = arith.constant 224 : i32
        %add3A_423 = arith.addi %mul3A_324, %add3A_422 : i32
        %get3A_424 = arith.index_cast %add3A_423 : i32 to index
        %get3A_425 = tpu.vector_load %arg4[%get3A_424] {strides = array<i32>} : memref<32768xf32, #tpu.memory_space<vmem>>, vector<16xf32>,
        %min3A_426 = arith.minimumf %max3A_371, %get3A_425 : vector<16xf32>
        %max3A_427 = arith.maximumf %max3A_371, %get3A_425 : vector<16xf32>
        %max3A_428 = arith.maximumf %max3A_372, %min3A_426 : vector<16xf32>
        %add3A_429 = arith.constant 240 : i32
        %add3A_430 = arith.addi %mul3A_324, %add3A_429 : i32
        %get3A_431 = arith.index_cast %add3A_430 : i32 to index
        %get3A_432 = tpu.vector_load %arg4[%get3A_431] {strides = array<i32>} : memref<32768xf32, #tpu.memory_space<vmem>>, vector<16xf32>,
        %min3A_433 = arith.minimumf %max3A_378, %get3A_432 : vector<16xf32>
        %max3A_434 = arith.maximumf %max3A_378, %get3A_432 : vector<16xf32>
        %max3A_435 = arith.maximumf %max3A_379, %min3A_433 : vector<16xf32>
        %add3A_436 = arith.constant 256 : i32
        %add3A_437 = arith.addi %mul3A_324, %add3A_436 : i32
        %get3A_438 = arith.index_cast %add3A_437 : i32 to index
        %get3A_439 = tpu.vector_load %arg4[%get3A_438] {strides = array<i32>} : memref<32768xf32, #tpu.memory_space<vmem>>, vector<16xf32>,
        %min3A_440 = arith.minimumf %max3A_385, %get3A_439 : vector<16xf32>
        %max3A_441 = arith.maximumf %max3A_385, %get3A_439 : vector<16xf32>
        %max3A_442 = arith.maximumf %max3A_386, %min3A_440 : vector<16xf32>
        %add3A_443 = arith.constant 272 : i32
        %add3A_444 = arith.addi %mul3A_324, %add3A_443 : i32
        %get3A_445 = arith.index_cast %add3A_444 : i32 to index
        %get3A_446 = tpu.vector_load %arg4[%get3A_445] {strides = array<i32>} : memref<32768xf32, #tpu.memory_space<vmem>>, vector<16xf32>,
        %min3A_447 = arith.minimumf %max3A_392, %get3A_446 : vector<16xf32>
        %max3A_448 = arith.maximumf %max3A_392, %get3A_446 : vector<16xf32>
        %max3A_449 = arith.maximumf %max3A_393, %min3A_447 : vector<16xf32>
        %add3A_450 = arith.constant 288 : i32
        %add3A_451 = arith.addi %mul3A_324, %add3A_450 : i32
        %get3A_452 = arith.index_cast %add3A_451 : i32 to index
        %get3A_453 = tpu.vector_load %arg4[%get3A_452] {strides = array<i32>} : memref<32768xf32, #tpu.memory_space<vmem>>, vector<16xf32>,
        %min3A_454 = arith.minimumf %max3A_399, %get3A_453 : vector<16xf32>
        %max3A_455 = arith.maximumf %max3A_399, %get3A_453 : vector<16xf32>
        %max3A_456 = arith.maximumf %max3A_400, %min3A_454 : vector<16xf32>
        %add3A_457 = arith.constant 304 : i32
        %add3A_458 = arith.addi %mul3A_324, %add3A_457 : i32
        %get3A_459 = arith.index_cast %add3A_458 : i32 to index
        %get3A_460 = tpu.vector_load %arg4[%get3A_459] {strides = array<i32>} : memref<32768xf32, #tpu.memory_space<vmem>>, vector<16xf32>,
        %min3A_461 = arith.minimumf %max3A_406, %get3A_460 : vector<16xf32>
        %max3A_462 = arith.maximumf %max3A_406, %get3A_460 : vector<16xf32>
        %max3A_463 = arith.maximumf %max3A_407, %min3A_461 : vector<16xf32>
        %add3A_464 = arith.constant 320 : i32
        %add3A_465 = arith.addi %mul3A_324, %add3A_464 : i32
        %get3A_466 = arith.index_cast %add3A_465 : i32 to index
        %get3A_467 = tpu.vector_load %arg4[%get3A_466] {strides = array<i32>} : memref<32768xf32, #tpu.memory_space<vmem>>, vector<16xf32>,
        %min3A_468 = arith.minimumf %max3A_413, %get3A_467 : vector<16xf32>
        %max3A_469 = arith.maximumf %max3A_413, %get3A_467 : vector<16xf32>
        %max3A_470 = arith.maximumf %max3A_414, %min3A_468 : vector<16xf32>
        %add3A_471 = arith.constant 336 : i32
        %add3A_472 = arith.addi %mul3A_324, %add3A_471 : i32
        %get3A_473 = arith.index_cast %add3A_472 : i32 to index
        %get3A_474 = tpu.vector_load %arg4[%get3A_473] {strides = array<i32>} : memref<32768xf32, #tpu.memory_space<vmem>>, vector<16xf32>,
        %min3A_475 = arith.minimumf %max3A_420, %get3A_474 : vector<16xf32>
        %max3A_476 = arith.maximumf %max3A_420, %get3A_474 : vector<16xf32>
        %max3A_477 = arith.maximumf %max3A_421, %min3A_475 : vector<16xf32>
        %add3A_478 = arith.constant 352 : i32
        %add3A_479 = arith.addi %mul3A_324, %add3A_478 : i32
        %get3A_480 = arith.index_cast %add3A_479 : i32 to index
        %get3A_481 = tpu.vector_load %arg4[%get3A_480] {strides = array<i32>} : memref<32768xf32, #tpu.memory_space<vmem>>, vector<16xf32>,
        %min3A_482 = arith.minimumf %max3A_427, %get3A_481 : vector<16xf32>
        %max3A_483 = arith.maximumf %max3A_427, %get3A_481 : vector<16xf32>
        %max3A_484 = arith.maximumf %max3A_428, %min3A_482 : vector<16xf32>
        %add3A_485 = arith.constant 368 : i32
        %add3A_486 = arith.addi %mul3A_324, %add3A_485 : i32
        %get3A_487 = arith.index_cast %add3A_486 : i32 to index
        %get3A_488 = tpu.vector_load %arg4[%get3A_487] {strides = array<i32>} : memref<32768xf32, #tpu.memory_space<vmem>>, vector<16xf32>,
        %min3A_489 = arith.minimumf %max3A_434, %get3A_488 : vector<16xf32>
        %max3A_490 = arith.maximumf %max3A_434, %get3A_488 : vector<16xf32>
        %max3A_491 = arith.maximumf %max3A_435, %min3A_489 : vector<16xf32>
        %add3A_492 = arith.constant 384 : i32
        %add3A_493 = arith.addi %mul3A_324, %add3A_492 : i32
        %get3A_494 = arith.index_cast %add3A_493 : i32 to index
        %get3A_495 = tpu.vector_load %arg4[%get3A_494] {strides = array<i32>} : memref<32768xf32, #tpu.memory_space<vmem>>, vector<16xf32>,
        %min3A_496 = arith.minimumf %max3A_441, %get3A_495 : vector<16xf32>
        %max3A_497 = arith.maximumf %max3A_441, %get3A_495 : vector<16xf32>
        %max3A_498 = arith.maximumf %max3A_442, %min3A_496 : vector<16xf32>
        %add3A_499 = arith.constant 400 : i32
        %add3A_500 = arith.addi %mul3A_324, %add3A_499 : i32
        %get3A_501 = arith.index_cast %add3A_500 : i32 to index
        %get3A_502 = tpu.vector_load %arg4[%get3A_501] {strides = array<i32>} : memref<32768xf32, #tpu.memory_space<vmem>>, vector<16xf32>,
        %min3A_503 = arith.minimumf %max3A_448, %get3A_502 : vector<16xf32>
        %max3A_504 = arith.maximumf %max3A_448, %get3A_502 : vector<16xf32>
        %max3A_505 = arith.maximumf %max3A_449, %min3A_503 : vector<16xf32>
        %add3A_506 = arith.constant 416 : i32
        %add3A_507 = arith.addi %mul3A_324, %add3A_506 : i32
        %get3A_508 = arith.index_cast %add3A_507 : i32 to index
        %get3A_509 = tpu.vector_load %arg4[%get3A_508] {strides = array<i32>} : memref<32768xf32, #tpu.memory_space<vmem>>, vector<16xf32>,
        %min3A_510 = arith.minimumf %max3A_455, %get3A_509 : vector<16xf32>
        %max3A_511 = arith.maximumf %max3A_455, %get3A_509 : vector<16xf32>
        %max3A_512 = arith.maximumf %max3A_456, %min3A_510 : vector<16xf32>
        %add3A_513 = arith.constant 432 : i32
        %add3A_514 = arith.addi %mul3A_324, %add3A_513 : i32
        %get3A_515 = arith.index_cast %add3A_514 : i32 to index
        %get3A_516 = tpu.vector_load %arg4[%get3A_515] {strides = array<i32>} : memref<32768xf32, #tpu.memory_space<vmem>>, vector<16xf32>,
        %min3A_517 = arith.minimumf %max3A_462, %get3A_516 : vector<16xf32>
        %max3A_518 = arith.maximumf %max3A_462, %get3A_516 : vector<16xf32>
        %max3A_519 = arith.maximumf %max3A_463, %min3A_517 : vector<16xf32>
        %add3A_520 = arith.constant 448 : i32
        %add3A_521 = arith.addi %mul3A_324, %add3A_520 : i32
        %get3A_522 = arith.index_cast %add3A_521 : i32 to index
        %get3A_523 = tpu.vector_load %arg4[%get3A_522] {strides = array<i32>} : memref<32768xf32, #tpu.memory_space<vmem>>, vector<16xf32>,
        %min3A_524 = arith.minimumf %max3A_469, %get3A_523 : vector<16xf32>
        %max3A_525 = arith.maximumf %max3A_469, %get3A_523 : vector<16xf32>
        %max3A_526 = arith.maximumf %max3A_470, %min3A_524 : vector<16xf32>
        %add3A_527 = arith.constant 464 : i32
        %add3A_528 = arith.addi %mul3A_324, %add3A_527 : i32
        %get3A_529 = arith.index_cast %add3A_528 : i32 to index
        %get3A_530 = tpu.vector_load %arg4[%get3A_529] {strides = array<i32>} : memref<32768xf32, #tpu.memory_space<vmem>>, vector<16xf32>,
        %min3A_531 = arith.minimumf %max3A_476, %get3A_530 : vector<16xf32>
        %max3A_532 = arith.maximumf %max3A_476, %get3A_530 : vector<16xf32>
        %max3A_533 = arith.maximumf %max3A_477, %min3A_531 : vector<16xf32>
        %add3A_534 = arith.constant 480 : i32
        %add3A_535 = arith.addi %mul3A_324, %add3A_534 : i32
        %get3A_536 = arith.index_cast %add3A_535 : i32 to index
        %get3A_537 = tpu.vector_load %arg4[%get3A_536] {strides = array<i32>} : memref<32768xf32, #tpu.memory_space<vmem>>, vector<16xf32>,
        %min3A_538 = arith.minimumf %max3A_483, %get3A_537 : vector<16xf32>
        %max3A_539 = arith.maximumf %max3A_483, %get3A_537 : vector<16xf32>
        %max3A_540 = arith.maximumf %max3A_484, %min3A_538 : vector<16xf32>
        %add3A_541 = arith.constant 496 : i32
        %add3A_542 = arith.addi %mul3A_324, %add3A_541 : i32
        %get3A_543 = arith.index_cast %add3A_542 : i32 to index
        %get3A_544 = tpu.vector_load %arg4[%get3A_543] {strides = array<i32>} : memref<32768xf32, #tpu.memory_space<vmem>>, vector<16xf32>,
        %min3A_545 = arith.minimumf %max3A_490, %get3A_544 : vector<16xf32>
        %max3A_546 = arith.maximumf %max3A_490, %get3A_544 : vector<16xf32>
        %max3A_547 = arith.maximumf %max3A_491, %min3A_545 : vector<16xf32>
        scf.yield %max3A_497, %max3A_498, %max3A_504, %max3A_505, %max3A_511, %max3A_512, %max3A_518, %max3A_519, %max3A_525, %max3A_526, %max3A_532, %max3A_533, %max3A_539, %max3A_540, %max3A_546, %max3A_547 : vector<16xf32>, vector<16xf32>, vector<16xf32>, vector<16xf32>, vector<16xf32>, vector<16xf32>, vector<16xf32>, vector<16xf32>, vector<16xf32>, vector<16xf32>, vector<16xf32>, vector<16xf32>, vector<16xf32>, vector<16xf32>, vector<16xf32>, vector<16xf32>
      }
      %scan3A_100 = arith.constant 64 : i32
      %max3A_101 = arith.maximumf %scan3A_99#0, %scan3A_99#2 : vector<16xf32>
      %min3A_102 = arith.minimumf %scan3A_99#0, %scan3A_99#2 : vector<16xf32>
      %max3A_103 = arith.maximumf %scan3A_99#1, %scan3A_99#3 : vector<16xf32>
      %max3A_104 = arith.maximumf %max3A_103, %min3A_102 : vector<16xf32>
      %max3A_105 = arith.maximumf %scan3A_99#4, %scan3A_99#6 : vector<16xf32>
      %min3A_106 = arith.minimumf %scan3A_99#4, %scan3A_99#6 : vector<16xf32>
      %max3A_107 = arith.maximumf %scan3A_99#5, %scan3A_99#7 : vector<16xf32>
      %max3A_108 = arith.maximumf %max3A_107, %min3A_106 : vector<16xf32>
      %max3A_109 = arith.maximumf %scan3A_99#8, %scan3A_99#10 : vector<16xf32>
      %min3A_110 = arith.minimumf %scan3A_99#8, %scan3A_99#10 : vector<16xf32>
      %max3A_111 = arith.maximumf %scan3A_99#9, %scan3A_99#11 : vector<16xf32>
      %max3A_112 = arith.maximumf %max3A_111, %min3A_110 : vector<16xf32>
      %max3A_113 = arith.maximumf %scan3A_99#12, %scan3A_99#14 : vector<16xf32>
      %min3A_114 = arith.minimumf %scan3A_99#12, %scan3A_99#14 : vector<16xf32>
      %max3A_115 = arith.maximumf %scan3A_99#13, %scan3A_99#15 : vector<16xf32>
      %max3A_116 = arith.maximumf %max3A_115, %min3A_114 : vector<16xf32>
      %max3A_117 = arith.maximumf %max3A_101, %max3A_105 : vector<16xf32>
      %min3A_118 = arith.minimumf %max3A_101, %max3A_105 : vector<16xf32>
      %max3A_119 = arith.maximumf %max3A_104, %max3A_108 : vector<16xf32>
      %max3A_120 = arith.maximumf %max3A_119, %min3A_118 : vector<16xf32>
      %max3A_121 = arith.maximumf %max3A_109, %max3A_113 : vector<16xf32>
      %min3A_122 = arith.minimumf %max3A_109, %max3A_113 : vector<16xf32>
      %max3A_123 = arith.maximumf %max3A_112, %max3A_116 : vector<16xf32>
      %max3A_124 = arith.maximumf %max3A_123, %min3A_122 : vector<16xf32>
      %max3A_125 = arith.maximumf %max3A_117, %max3A_121 : vector<16xf32>
      %min3A_126 = arith.minimumf %max3A_117, %max3A_121 : vector<16xf32>
      %max3A_127 = arith.maximumf %max3A_120, %max3A_124 : vector<16xf32>
      %max3A_128 = arith.maximumf %max3A_127, %min3A_126 : vector<16xf32>
      %reduce_max3A_129 = arith.constant true
      %reduce_max3A_130 = vector.broadcast %reduce_max3A_129 : i1 to vector<16xi1>
      %reduce_max3A_131 = tpu.scan <max>, %max3A_125 masked %reduce_max3A_130 : vector<16xf32>, vector<16xi1> -> vector<16xf32>
      %reduce_max3A_132 = vector.extract %reduce_max3A_131[15] : f32 from vector<16xf32>
      %eq3A_133 = vector.broadcast %reduce_max3A_132 : f32 to vector<16xf32>
      %eq3A_134 = arith.cmpf oeq, %max3A_125, %eq3A_133 : vector<16xf32>
      %convert_element_type3A_135 = arith.extui %eq3A_134 : vector<16xi1> to vector<16xi32>
      %cumsum3A_136 = arith.constant true
      %cumsum3A_137 = vector.broadcast %cumsum3A_136 : i1 to vector<16xi1>
      %cumsum3A_138 = tpu.scan <sum>, %convert_element_type3A_135 masked %cumsum3A_137 : vector<16xi32>, vector<16xi1> -> vector<16xi32>
      %eq3A_139 = arith.constant 1 : i32
      %eq3A_140 = vector.broadcast %eq3A_139 : i32 to vector<16xi32>
      %eq3A_141 = arith.cmpi eq, %cumsum3A_138, %eq3A_140 : vector<16xi32>
      %and3A_142 = arith.andi %eq3A_134, %eq3A_141 : vector<16xi1>
      %select_n3A_143 = arith.select %and3A_142, %max3A_128, %max3A_125 : vector<16xi1>, vector<16xf32>
      %reduce_max3A_144 = arith.constant true
      %reduce_max3A_145 = vector.broadcast %reduce_max3A_144 : i1 to vector<16xi1>
      %reduce_max3A_146 = tpu.scan <max>, %select_n3A_143 masked %reduce_max3A_145 : vector<16xf32>, vector<16xi1> -> vector<16xf32>
      %reduce_max3A_147 = vector.extract %reduce_max3A_146[15] : f32 from vector<16xf32>
      %sub3A_148 = arith.subf %reduce_max3A_132, %reduce_max3A_147 : f32
      %add3A_149 = vector.broadcast %sub3A_148 : f32 to vector<16xf32>
      %add3A_150 = arith.addf %scan3A_88, %add3A_149 : vector<16xf32>
      %mul3A_151 = arith.constant 3 : i32
      %mul3A_152 = arith.muli %scan3A_87, %mul3A_151 : i32
      %add3A_153 = arith.constant 0 : i32
      %add3A_154 = arith.addi %mul3A_152, %add3A_153 : i32
      %add3A_155 = arith.constant 3 : i32
      %add3A_156 = arith.addi %add3A_154, %add3A_155 : i32
      %lt3A = arith.constant 1024 : i32
      %lt3A_157 = arith.cmpi slt, %add3A_156, %lt3A : i32
      %convert_element_type3A_158 = arith.extui %lt3A_157 : i1 to i32
      %cond3A = arith.constant 0 : i32
      %cond3A_159 = arith.cmpi ne, %convert_element_type3A_158, %cond3A : i32
      scf.if %cond3A_159 {
        %add3A_306 = arith.addi %mul3A_2, %add3A_156 : i32
        %dma_start3A_307 = arith.constant 0 : i32
        %dma_start3A_308 = tpu.memref_slice %arg2[%add3A_306, %dma_start3A_307] : memref<65536x32768xf32, #tpu.memory_space<hbm>> -> memref<1x32768xf32, #tpu.memory_space<hbm>>
        %dma_start3A_309 = tpu.memref_squeeze %dma_start3A_308 : memref<1x32768xf32, #tpu.memory_space<hbm>> -> memref<32768xf32, #tpu.memory_space<hbm>>
        %dma_start3A_310 = arith.constant 0 : i32
        %dma_start3A_311 = tpu.memref_slice %arg2[%add3A_306, %dma_start3A_310] : memref<65536x32768xf32, #tpu.memory_space<hbm>> -> memref<1x32768xf32, #tpu.memory_space<hbm>>
        %dma_start3A_312 = tpu.memref_squeeze %dma_start3A_311 : memref<1x32768xf32, #tpu.memory_space<hbm>> -> memref<32768xf32, #tpu.memory_space<hbm>>
        tpu.enqueue_dma source(%dma_start3A_312 : memref<32768xf32, #tpu.memory_space<hbm>>) target(%arg4 : memref<32768xf32, #tpu.memory_space<vmem>>) target_semaphore(%arg8 : memref<!tpu.dma_semaphore, #tpu.memory_space<semaphore_mem>>)
      } else {
      }
      %dma_wait3A_160 = arith.constant 0 : i32
      %dma_wait3A_161 = tpu.memref_slice %arg2[%mul3A_2, %dma_wait3A_160] : memref<65536x32768xf32, #tpu.memory_space<hbm>> -> memref<1x32768xf32, #tpu.memory_space<hbm>>
      %dma_wait3A_162 = tpu.memref_squeeze %dma_wait3A_161 : memref<1x32768xf32, #tpu.memory_space<hbm>> -> memref<32768xf32, #tpu.memory_space<hbm>>
      %dma_wait3A_163 = arith.constant 0 : i32
      %dma_wait3A_164 = tpu.memref_slice %arg2[%mul3A_2, %dma_wait3A_163] : memref<65536x32768xf32, #tpu.memory_space<hbm>> -> memref<1x32768xf32, #tpu.memory_space<hbm>>
      %dma_wait3A_165 = tpu.memref_squeeze %dma_wait3A_164 : memref<1x32768xf32, #tpu.memory_space<hbm>> -> memref<32768xf32, #tpu.memory_space<hbm>>
      tpu.wait_dma2 semaphore(%arg9 : memref<!tpu.dma_semaphore, #tpu.memory_space<semaphore_mem>>) src(%dma_wait3A_165 : memref<32768xf32, #tpu.memory_space<hbm>>) dst(%arg5 : memref<32768xf32, #tpu.memory_space<vmem>>)
      %scan3A_166 = arith.constant 0 : i32
      %scan3A_167 = arith.constant 64 : i32
      %scan3A_168 = arith.addi %scan3A_166, %scan3A_167 : i32
      %scan3A_169 = arith.constant 1 : i32
      %scan3A_170:16 = scf.for %scan3A_306 = %scan3A_166 to %scan3A_168 step %scan3A_169 iter_args(%scan3A_307 = %broadcast_in_dim3A_26, %scan3A_308 = %broadcast_in_dim3A_26, %scan3A_309 = %broadcast_in_dim3A_26, %scan3A_310 = %broadcast_in_dim3A_26, %scan3A_311 = %broadcast_in_dim3A_26, %scan3A_312 = %broadcast_in_dim3A_26, %scan3A_313 = %broadcast_in_dim3A_26, %scan3A_314 = %broadcast_in_dim3A_26, %scan3A_315 = %broadcast_in_dim3A_26, %scan3A_316 = %broadcast_in_dim3A_26, %scan3A_317 = %broadcast_in_dim3A_26, %scan3A_318 = %broadcast_in_dim3A_26, %scan3A_319 = %broadcast_in_dim3A_26, %scan3A_320 = %broadcast_in_dim3A_26, %scan3A_321 = %broadcast_in_dim3A_26, %scan3A_322 = %broadcast_in_dim3A_26) -> (vector<16xf32>, vector<16xf32>, vector<16xf32>, vector<16xf32>, vector<16xf32>, vector<16xf32>, vector<16xf32>, vector<16xf32>, vector<16xf32>, vector<16xf32>, vector<16xf32>, vector<16xf32>, vector<16xf32>, vector<16xf32>, vector<16xf32>, vector<16xf32>)  : i32 {
        %mul3A_323 = arith.constant 512 : i32
        %mul3A_324 = arith.muli %scan3A_306, %mul3A_323 : i32
        %add3A_325 = arith.constant 0 : i32
        %add3A_326 = arith.addi %mul3A_324, %add3A_325 : i32
        %get3A = arith.index_cast %add3A_326 : i32 to index
        %get3A_327 = tpu.vector_load %arg5[%get3A] {strides = array<i32>} : memref<32768xf32, #tpu.memory_space<vmem>>, vector<16xf32>,
        %min3A_328 = arith.minimumf %scan3A_307, %get3A_327 : vector<16xf32>
        %max3A_329 = arith.maximumf %scan3A_307, %get3A_327 : vector<16xf32>
        %max3A_330 = arith.maximumf %scan3A_308, %min3A_328 : vector<16xf32>
        %add3A_331 = arith.constant 16 : i32
        %add3A_332 = arith.addi %mul3A_324, %add3A_331 : i32
        %get3A_333 = arith.index_cast %add3A_332 : i32 to index
        %get3A_334 = tpu.vector_load %arg5[%get3A_333] {strides = array<i32>} : memref<32768xf32, #tpu.memory_space<vmem>>, vector<16xf32>,
        %min3A_335 = arith.minimumf %scan3A_309, %get3A_334 : vector<16xf32>
        %max3A_336 = arith.maximumf %scan3A_309, %get3A_334 : vector<16xf32>
        %max3A_337 = arith.maximumf %scan3A_310, %min3A_335 : vector<16xf32>
        %add3A_338 = arith.constant 32 : i32
        %add3A_339 = arith.addi %mul3A_324, %add3A_338 : i32
        %get3A_340 = arith.index_cast %add3A_339 : i32 to index
        %get3A_341 = tpu.vector_load %arg5[%get3A_340] {strides = array<i32>} : memref<32768xf32, #tpu.memory_space<vmem>>, vector<16xf32>,
        %min3A_342 = arith.minimumf %scan3A_311, %get3A_341 : vector<16xf32>
        %max3A_343 = arith.maximumf %scan3A_311, %get3A_341 : vector<16xf32>
        %max3A_344 = arith.maximumf %scan3A_312, %min3A_342 : vector<16xf32>
        %add3A_345 = arith.constant 48 : i32
        %add3A_346 = arith.addi %mul3A_324, %add3A_345 : i32
        %get3A_347 = arith.index_cast %add3A_346 : i32 to index
        %get3A_348 = tpu.vector_load %arg5[%get3A_347] {strides = array<i32>} : memref<32768xf32, #tpu.memory_space<vmem>>, vector<16xf32>,
        %min3A_349 = arith.minimumf %scan3A_313, %get3A_348 : vector<16xf32>
        %max3A_350 = arith.maximumf %scan3A_313, %get3A_348 : vector<16xf32>
        %max3A_351 = arith.maximumf %scan3A_314, %min3A_349 : vector<16xf32>
        %add3A_352 = arith.constant 64 : i32
        %add3A_353 = arith.addi %mul3A_324, %add3A_352 : i32
        %get3A_354 = arith.index_cast %add3A_353 : i32 to index
        %get3A_355 = tpu.vector_load %arg5[%get3A_354] {strides = array<i32>} : memref<32768xf32, #tpu.memory_space<vmem>>, vector<16xf32>,
        %min3A_356 = arith.minimumf %scan3A_315, %get3A_355 : vector<16xf32>
        %max3A_357 = arith.maximumf %scan3A_315, %get3A_355 : vector<16xf32>
        %max3A_358 = arith.maximumf %scan3A_316, %min3A_356 : vector<16xf32>
        %add3A_359 = arith.constant 80 : i32
        %add3A_360 = arith.addi %mul3A_324, %add3A_359 : i32
        %get3A_361 = arith.index_cast %add3A_360 : i32 to index
        %get3A_362 = tpu.vector_load %arg5[%get3A_361] {strides = array<i32>} : memref<32768xf32, #tpu.memory_space<vmem>>, vector<16xf32>,
        %min3A_363 = arith.minimumf %scan3A_317, %get3A_362 : vector<16xf32>
        %max3A_364 = arith.maximumf %scan3A_317, %get3A_362 : vector<16xf32>
        %max3A_365 = arith.maximumf %scan3A_318, %min3A_363 : vector<16xf32>
        %add3A_366 = arith.constant 96 : i32
        %add3A_367 = arith.addi %mul3A_324, %add3A_366 : i32
        %get3A_368 = arith.index_cast %add3A_367 : i32 to index
        %get3A_369 = tpu.vector_load %arg5[%get3A_368] {strides = array<i32>} : memref<32768xf32, #tpu.memory_space<vmem>>, vector<16xf32>,
        %min3A_370 = arith.minimumf %scan3A_319, %get3A_369 : vector<16xf32>
        %max3A_371 = arith.maximumf %scan3A_319, %get3A_369 : vector<16xf32>
        %max3A_372 = arith.maximumf %scan3A_320, %min3A_370 : vector<16xf32>
        %add3A_373 = arith.constant 112 : i32
        %add3A_374 = arith.addi %mul3A_324, %add3A_373 : i32
        %get3A_375 = arith.index_cast %add3A_374 : i32 to index
        %get3A_376 = tpu.vector_load %arg5[%get3A_375] {strides = array<i32>} : memref<32768xf32, #tpu.memory_space<vmem>>, vector<16xf32>,
        %min3A_377 = arith.minimumf %scan3A_321, %get3A_376 : vector<16xf32>
        %max3A_378 = arith.maximumf %scan3A_321, %get3A_376 : vector<16xf32>
        %max3A_379 = arith.maximumf %scan3A_322, %min3A_377 : vector<16xf32>
        %add3A_380 = arith.constant 128 : i32
        %add3A_381 = arith.addi %mul3A_324, %add3A_380 : i32
        %get3A_382 = arith.index_cast %add3A_381 : i32 to index
        %get3A_383 = tpu.vector_load %arg5[%get3A_382] {strides = array<i32>} : memref<32768xf32, #tpu.memory_space<vmem>>, vector<16xf32>,
        %min3A_384 = arith.minimumf %max3A_329, %get3A_383 : vector<16xf32>
        %max3A_385 = arith.maximumf %max3A_329, %get3A_383 : vector<16xf32>
        %max3A_386 = arith.maximumf %max3A_330, %min3A_384 : vector<16xf32>
        %add3A_387 = arith.constant 144 : i32
        %add3A_388 = arith.addi %mul3A_324, %add3A_387 : i32
        %get3A_389 = arith.index_cast %add3A_388 : i32 to index
        %get3A_390 = tpu.vector_load %arg5[%get3A_389] {strides = array<i32>} : memref<32768xf32, #tpu.memory_space<vmem>>, vector<16xf32>,
        %min3A_391 = arith.minimumf %max3A_336, %get3A_390 : vector<16xf32>
        %max3A_392 = arith.maximumf %max3A_336, %get3A_390 : vector<16xf32>
        %max3A_393 = arith.maximumf %max3A_337, %min3A_391 : vector<16xf32>
        %add3A_394 = arith.constant 160 : i32
        %add3A_395 = arith.addi %mul3A_324, %add3A_394 : i32
        %get3A_396 = arith.index_cast %add3A_395 : i32 to index
        %get3A_397 = tpu.vector_load %arg5[%get3A_396] {strides = array<i32>} : memref<32768xf32, #tpu.memory_space<vmem>>, vector<16xf32>,
        %min3A_398 = arith.minimumf %max3A_343, %get3A_397 : vector<16xf32>
        %max3A_399 = arith.maximumf %max3A_343, %get3A_397 : vector<16xf32>
        %max3A_400 = arith.maximumf %max3A_344, %min3A_398 : vector<16xf32>
        %add3A_401 = arith.constant 176 : i32
        %add3A_402 = arith.addi %mul3A_324, %add3A_401 : i32
        %get3A_403 = arith.index_cast %add3A_402 : i32 to index
        %get3A_404 = tpu.vector_load %arg5[%get3A_403] {strides = array<i32>} : memref<32768xf32, #tpu.memory_space<vmem>>, vector<16xf32>,
        %min3A_405 = arith.minimumf %max3A_350, %get3A_404 : vector<16xf32>
        %max3A_406 = arith.maximumf %max3A_350, %get3A_404 : vector<16xf32>
        %max3A_407 = arith.maximumf %max3A_351, %min3A_405 : vector<16xf32>
        %add3A_408 = arith.constant 192 : i32
        %add3A_409 = arith.addi %mul3A_324, %add3A_408 : i32
        %get3A_410 = arith.index_cast %add3A_409 : i32 to index
        %get3A_411 = tpu.vector_load %arg5[%get3A_410] {strides = array<i32>} : memref<32768xf32, #tpu.memory_space<vmem>>, vector<16xf32>,
        %min3A_412 = arith.minimumf %max3A_357, %get3A_411 : vector<16xf32>
        %max3A_413 = arith.maximumf %max3A_357, %get3A_411 : vector<16xf32>
        %max3A_414 = arith.maximumf %max3A_358, %min3A_412 : vector<16xf32>
        %add3A_415 = arith.constant 208 : i32
        %add3A_416 = arith.addi %mul3A_324, %add3A_415 : i32
        %get3A_417 = arith.index_cast %add3A_416 : i32 to index
        %get3A_418 = tpu.vector_load %arg5[%get3A_417] {strides = array<i32>} : memref<32768xf32, #tpu.memory_space<vmem>>, vector<16xf32>,
        %min3A_419 = arith.minimumf %max3A_364, %get3A_418 : vector<16xf32>
        %max3A_420 = arith.maximumf %max3A_364, %get3A_418 : vector<16xf32>
        %max3A_421 = arith.maximumf %max3A_365, %min3A_419 : vector<16xf32>
        %add3A_422 = arith.constant 224 : i32
        %add3A_423 = arith.addi %mul3A_324, %add3A_422 : i32
        %get3A_424 = arith.index_cast %add3A_423 : i32 to index
        %get3A_425 = tpu.vector_load %arg5[%get3A_424] {strides = array<i32>} : memref<32768xf32, #tpu.memory_space<vmem>>, vector<16xf32>,
        %min3A_426 = arith.minimumf %max3A_371, %get3A_425 : vector<16xf32>
        %max3A_427 = arith.maximumf %max3A_371, %get3A_425 : vector<16xf32>
        %max3A_428 = arith.maximumf %max3A_372, %min3A_426 : vector<16xf32>
        %add3A_429 = arith.constant 240 : i32
        %add3A_430 = arith.addi %mul3A_324, %add3A_429 : i32
        %get3A_431 = arith.index_cast %add3A_430 : i32 to index
        %get3A_432 = tpu.vector_load %arg5[%get3A_431] {strides = array<i32>} : memref<32768xf32, #tpu.memory_space<vmem>>, vector<16xf32>,
        %min3A_433 = arith.minimumf %max3A_378, %get3A_432 : vector<16xf32>
        %max3A_434 = arith.maximumf %max3A_378, %get3A_432 : vector<16xf32>
        %max3A_435 = arith.maximumf %max3A_379, %min3A_433 : vector<16xf32>
        %add3A_436 = arith.constant 256 : i32
        %add3A_437 = arith.addi %mul3A_324, %add3A_436 : i32
        %get3A_438 = arith.index_cast %add3A_437 : i32 to index
        %get3A_439 = tpu.vector_load %arg5[%get3A_438] {strides = array<i32>} : memref<32768xf32, #tpu.memory_space<vmem>>, vector<16xf32>,
        %min3A_440 = arith.minimumf %max3A_385, %get3A_439 : vector<16xf32>
        %max3A_441 = arith.maximumf %max3A_385, %get3A_439 : vector<16xf32>
        %max3A_442 = arith.maximumf %max3A_386, %min3A_440 : vector<16xf32>
        %add3A_443 = arith.constant 272 : i32
        %add3A_444 = arith.addi %mul3A_324, %add3A_443 : i32
        %get3A_445 = arith.index_cast %add3A_444 : i32 to index
        %get3A_446 = tpu.vector_load %arg5[%get3A_445] {strides = array<i32>} : memref<32768xf32, #tpu.memory_space<vmem>>, vector<16xf32>,
        %min3A_447 = arith.minimumf %max3A_392, %get3A_446 : vector<16xf32>
        %max3A_448 = arith.maximumf %max3A_392, %get3A_446 : vector<16xf32>
        %max3A_449 = arith.maximumf %max3A_393, %min3A_447 : vector<16xf32>
        %add3A_450 = arith.constant 288 : i32
        %add3A_451 = arith.addi %mul3A_324, %add3A_450 : i32
        %get3A_452 = arith.index_cast %add3A_451 : i32 to index
        %get3A_453 = tpu.vector_load %arg5[%get3A_452] {strides = array<i32>} : memref<32768xf32, #tpu.memory_space<vmem>>, vector<16xf32>,
        %min3A_454 = arith.minimumf %max3A_399, %get3A_453 : vector<16xf32>
        %max3A_455 = arith.maximumf %max3A_399, %get3A_453 : vector<16xf32>
        %max3A_456 = arith.maximumf %max3A_400, %min3A_454 : vector<16xf32>
        %add3A_457 = arith.constant 304 : i32
        %add3A_458 = arith.addi %mul3A_324, %add3A_457 : i32
        %get3A_459 = arith.index_cast %add3A_458 : i32 to index
        %get3A_460 = tpu.vector_load %arg5[%get3A_459] {strides = array<i32>} : memref<32768xf32, #tpu.memory_space<vmem>>, vector<16xf32>,
        %min3A_461 = arith.minimumf %max3A_406, %get3A_460 : vector<16xf32>
        %max3A_462 = arith.maximumf %max3A_406, %get3A_460 : vector<16xf32>
        %max3A_463 = arith.maximumf %max3A_407, %min3A_461 : vector<16xf32>
        %add3A_464 = arith.constant 320 : i32
        %add3A_465 = arith.addi %mul3A_324, %add3A_464 : i32
        %get3A_466 = arith.index_cast %add3A_465 : i32 to index
        %get3A_467 = tpu.vector_load %arg5[%get3A_466] {strides = array<i32>} : memref<32768xf32, #tpu.memory_space<vmem>>, vector<16xf32>,
        %min3A_468 = arith.minimumf %max3A_413, %get3A_467 : vector<16xf32>
        %max3A_469 = arith.maximumf %max3A_413, %get3A_467 : vector<16xf32>
        %max3A_470 = arith.maximumf %max3A_414, %min3A_468 : vector<16xf32>
        %add3A_471 = arith.constant 336 : i32
        %add3A_472 = arith.addi %mul3A_324, %add3A_471 : i32
        %get3A_473 = arith.index_cast %add3A_472 : i32 to index
        %get3A_474 = tpu.vector_load %arg5[%get3A_473] {strides = array<i32>} : memref<32768xf32, #tpu.memory_space<vmem>>, vector<16xf32>,
        %min3A_475 = arith.minimumf %max3A_420, %get3A_474 : vector<16xf32>
        %max3A_476 = arith.maximumf %max3A_420, %get3A_474 : vector<16xf32>
        %max3A_477 = arith.maximumf %max3A_421, %min3A_475 : vector<16xf32>
        %add3A_478 = arith.constant 352 : i32
        %add3A_479 = arith.addi %mul3A_324, %add3A_478 : i32
        %get3A_480 = arith.index_cast %add3A_479 : i32 to index
        %get3A_481 = tpu.vector_load %arg5[%get3A_480] {strides = array<i32>} : memref<32768xf32, #tpu.memory_space<vmem>>, vector<16xf32>,
        %min3A_482 = arith.minimumf %max3A_427, %get3A_481 : vector<16xf32>
        %max3A_483 = arith.maximumf %max3A_427, %get3A_481 : vector<16xf32>
        %max3A_484 = arith.maximumf %max3A_428, %min3A_482 : vector<16xf32>
        %add3A_485 = arith.constant 368 : i32
        %add3A_486 = arith.addi %mul3A_324, %add3A_485 : i32
        %get3A_487 = arith.index_cast %add3A_486 : i32 to index
        %get3A_488 = tpu.vector_load %arg5[%get3A_487] {strides = array<i32>} : memref<32768xf32, #tpu.memory_space<vmem>>, vector<16xf32>,
        %min3A_489 = arith.minimumf %max3A_434, %get3A_488 : vector<16xf32>
        %max3A_490 = arith.maximumf %max3A_434, %get3A_488 : vector<16xf32>
        %max3A_491 = arith.maximumf %max3A_435, %min3A_489 : vector<16xf32>
        %add3A_492 = arith.constant 384 : i32
        %add3A_493 = arith.addi %mul3A_324, %add3A_492 : i32
        %get3A_494 = arith.index_cast %add3A_493 : i32 to index
        %get3A_495 = tpu.vector_load %arg5[%get3A_494] {strides = array<i32>} : memref<32768xf32, #tpu.memory_space<vmem>>, vector<16xf32>,
        %min3A_496 = arith.minimumf %max3A_441, %get3A_495 : vector<16xf32>
        %max3A_497 = arith.maximumf %max3A_441, %get3A_495 : vector<16xf32>
        %max3A_498 = arith.maximumf %max3A_442, %min3A_496 : vector<16xf32>
        %add3A_499 = arith.constant 400 : i32
        %add3A_500 = arith.addi %mul3A_324, %add3A_499 : i32
        %get3A_501 = arith.index_cast %add3A_500 : i32 to index
        %get3A_502 = tpu.vector_load %arg5[%get3A_501] {strides = array<i32>} : memref<32768xf32, #tpu.memory_space<vmem>>, vector<16xf32>,
        %min3A_503 = arith.minimumf %max3A_448, %get3A_502 : vector<16xf32>
        %max3A_504 = arith.maximumf %max3A_448, %get3A_502 : vector<16xf32>
        %max3A_505 = arith.maximumf %max3A_449, %min3A_503 : vector<16xf32>
        %add3A_506 = arith.constant 416 : i32
        %add3A_507 = arith.addi %mul3A_324, %add3A_506 : i32
        %get3A_508 = arith.index_cast %add3A_507 : i32 to index
        %get3A_509 = tpu.vector_load %arg5[%get3A_508] {strides = array<i32>} : memref<32768xf32, #tpu.memory_space<vmem>>, vector<16xf32>,
        %min3A_510 = arith.minimumf %max3A_455, %get3A_509 : vector<16xf32>
        %max3A_511 = arith.maximumf %max3A_455, %get3A_509 : vector<16xf32>
        %max3A_512 = arith.maximumf %max3A_456, %min3A_510 : vector<16xf32>
        %add3A_513 = arith.constant 432 : i32
        %add3A_514 = arith.addi %mul3A_324, %add3A_513 : i32
        %get3A_515 = arith.index_cast %add3A_514 : i32 to index
        %get3A_516 = tpu.vector_load %arg5[%get3A_515] {strides = array<i32>} : memref<32768xf32, #tpu.memory_space<vmem>>, vector<16xf32>,
        %min3A_517 = arith.minimumf %max3A_462, %get3A_516 : vector<16xf32>
        %max3A_518 = arith.maximumf %max3A_462, %get3A_516 : vector<16xf32>
        %max3A_519 = arith.maximumf %max3A_463, %min3A_517 : vector<16xf32>
        %add3A_520 = arith.constant 448 : i32
        %add3A_521 = arith.addi %mul3A_324, %add3A_520 : i32
        %get3A_522 = arith.index_cast %add3A_521 : i32 to index
        %get3A_523 = tpu.vector_load %arg5[%get3A_522] {strides = array<i32>} : memref<32768xf32, #tpu.memory_space<vmem>>, vector<16xf32>,
        %min3A_524 = arith.minimumf %max3A_469, %get3A_523 : vector<16xf32>
        %max3A_525 = arith.maximumf %max3A_469, %get3A_523 : vector<16xf32>
        %max3A_526 = arith.maximumf %max3A_470, %min3A_524 : vector<16xf32>
        %add3A_527 = arith.constant 464 : i32
        %add3A_528 = arith.addi %mul3A_324, %add3A_527 : i32
        %get3A_529 = arith.index_cast %add3A_528 : i32 to index
        %get3A_530 = tpu.vector_load %arg5[%get3A_529] {strides = array<i32>} : memref<32768xf32, #tpu.memory_space<vmem>>, vector<16xf32>,
        %min3A_531 = arith.minimumf %max3A_476, %get3A_530 : vector<16xf32>
        %max3A_532 = arith.maximumf %max3A_476, %get3A_530 : vector<16xf32>
        %max3A_533 = arith.maximumf %max3A_477, %min3A_531 : vector<16xf32>
        %add3A_534 = arith.constant 480 : i32
        %add3A_535 = arith.addi %mul3A_324, %add3A_534 : i32
        %get3A_536 = arith.index_cast %add3A_535 : i32 to index
        %get3A_537 = tpu.vector_load %arg5[%get3A_536] {strides = array<i32>} : memref<32768xf32, #tpu.memory_space<vmem>>, vector<16xf32>,
        %min3A_538 = arith.minimumf %max3A_483, %get3A_537 : vector<16xf32>
        %max3A_539 = arith.maximumf %max3A_483, %get3A_537 : vector<16xf32>
        %max3A_540 = arith.maximumf %max3A_484, %min3A_538 : vector<16xf32>
        %add3A_541 = arith.constant 496 : i32
        %add3A_542 = arith.addi %mul3A_324, %add3A_541 : i32
        %get3A_543 = arith.index_cast %add3A_542 : i32 to index
        %get3A_544 = tpu.vector_load %arg5[%get3A_543] {strides = array<i32>} : memref<32768xf32, #tpu.memory_space<vmem>>, vector<16xf32>,
        %min3A_545 = arith.minimumf %max3A_490, %get3A_544 : vector<16xf32>
        %max3A_546 = arith.maximumf %max3A_490, %get3A_544 : vector<16xf32>
        %max3A_547 = arith.maximumf %max3A_491, %min3A_545 : vector<16xf32>
        scf.yield %max3A_497, %max3A_498, %max3A_504, %max3A_505, %max3A_511, %max3A_512, %max3A_518, %max3A_519, %max3A_525, %max3A_526, %max3A_532, %max3A_533, %max3A_539, %max3A_540, %max3A_546, %max3A_547 : vector<16xf32>, vector<16xf32>, vector<16xf32>, vector<16xf32>, vector<16xf32>, vector<16xf32>, vector<16xf32>, vector<16xf32>, vector<16xf32>, vector<16xf32>, vector<16xf32>, vector<16xf32>, vector<16xf32>, vector<16xf32>, vector<16xf32>, vector<16xf32>
      }
      %scan3A_171 = arith.constant 64 : i32
      %max3A_172 = arith.maximumf %scan3A_170#0, %scan3A_170#2 : vector<16xf32>
      %min3A_173 = arith.minimumf %scan3A_170#0, %scan3A_170#2 : vector<16xf32>
      %max3A_174 = arith.maximumf %scan3A_170#1, %scan3A_170#3 : vector<16xf32>
      %max3A_175 = arith.maximumf %max3A_174, %min3A_173 : vector<16xf32>
      %max3A_176 = arith.maximumf %scan3A_170#4, %scan3A_170#6 : vector<16xf32>
      %min3A_177 = arith.minimumf %scan3A_170#4, %scan3A_170#6 : vector<16xf32>
      %max3A_178 = arith.maximumf %scan3A_170#5, %scan3A_170#7 : vector<16xf32>
      %max3A_179 = arith.maximumf %max3A_178, %min3A_177 : vector<16xf32>
      %max3A_180 = arith.maximumf %scan3A_170#8, %scan3A_170#10 : vector<16xf32>
      %min3A_181 = arith.minimumf %scan3A_170#8, %scan3A_170#10 : vector<16xf32>
      %max3A_182 = arith.maximumf %scan3A_170#9, %scan3A_170#11 : vector<16xf32>
      %max3A_183 = arith.maximumf %max3A_182, %min3A_181 : vector<16xf32>
      %max3A_184 = arith.maximumf %scan3A_170#12, %scan3A_170#14 : vector<16xf32>
      %min3A_185 = arith.minimumf %scan3A_170#12, %scan3A_170#14 : vector<16xf32>
      %max3A_186 = arith.maximumf %scan3A_170#13, %scan3A_170#15 : vector<16xf32>
      %max3A_187 = arith.maximumf %max3A_186, %min3A_185 : vector<16xf32>
      %max3A_188 = arith.maximumf %max3A_172, %max3A_176 : vector<16xf32>
      %min3A_189 = arith.minimumf %max3A_172, %max3A_176 : vector<16xf32>
      %max3A_190 = arith.maximumf %max3A_175, %max3A_179 : vector<16xf32>
      %max3A_191 = arith.maximumf %max3A_190, %min3A_189 : vector<16xf32>
      %max3A_192 = arith.maximumf %max3A_180, %max3A_184 : vector<16xf32>
      %min3A_193 = arith.minimumf %max3A_180, %max3A_184 : vector<16xf32>
      %max3A_194 = arith.maximumf %max3A_183, %max3A_187 : vector<16xf32>
      %max3A_195 = arith.maximumf %max3A_194, %min3A_193 : vector<16xf32>
      %max3A_196 = arith.maximumf %max3A_188, %max3A_192 : vector<16xf32>
      %min3A_197 = arith.minimumf %max3A_188, %max3A_192 : vector<16xf32>
      %max3A_198 = arith.maximumf %max3A_191, %max3A_195 : vector<16xf32>
      %max3A_199 = arith.maximumf %max3A_198, %min3A_197 : vector<16xf32>
      %reduce_max3A_200 = arith.constant true
      %reduce_max3A_201 = vector.broadcast %reduce_max3A_200 : i1 to vector<16xi1>
      %reduce_max3A_202 = tpu.scan <max>, %max3A_196 masked %reduce_max3A_201 : vector<16xf32>, vector<16xi1> -> vector<16xf32>
      %reduce_max3A_203 = vector.extract %reduce_max3A_202[15] : f32 from vector<16xf32>
      %eq3A_204 = vector.broadcast %reduce_max3A_203 : f32 to vector<16xf32>
      %eq3A_205 = arith.cmpf oeq, %max3A_196, %eq3A_204 : vector<16xf32>
      %convert_element_type3A_206 = arith.extui %eq3A_205 : vector<16xi1> to vector<16xi32>
      %cumsum3A_207 = arith.constant true
      %cumsum3A_208 = vector.broadcast %cumsum3A_207 : i1 to vector<16xi1>
      %cumsum3A_209 = tpu.scan <sum>, %convert_element_type3A_206 masked %cumsum3A_208 : vector<16xi32>, vector<16xi1> -> vector<16xi32>
      %eq3A_210 = arith.constant 1 : i32
      %eq3A_211 = vector.broadcast %eq3A_210 : i32 to vector<16xi32>
      %eq3A_212 = arith.cmpi eq, %cumsum3A_209, %eq3A_211 : vector<16xi32>
      %and3A_213 = arith.andi %eq3A_205, %eq3A_212 : vector<16xi1>
      %select_n3A_214 = arith.select %and3A_213, %max3A_199, %max3A_196 : vector<16xi1>, vector<16xf32>
      %reduce_max3A_215 = arith.constant true
      %reduce_max3A_216 = vector.broadcast %reduce_max3A_215 : i1 to vector<16xi1>
      %reduce_max3A_217 = tpu.scan <max>, %select_n3A_214 masked %reduce_max3A_216 : vector<16xf32>, vector<16xi1> -> vector<16xf32>
      %reduce_max3A_218 = vector.extract %reduce_max3A_217[15] : f32 from vector<16xf32>
      %sub3A_219 = arith.subf %reduce_max3A_203, %reduce_max3A_218 : f32
      %add3A_220 = vector.broadcast %sub3A_219 : f32 to vector<16xf32>
      %add3A_221 = arith.addf %add3A_150, %add3A_220 : vector<16xf32>
      %mul3A_222 = arith.constant 3 : i32
      %mul3A_223 = arith.muli %scan3A_87, %mul3A_222 : i32
      %add3A_224 = arith.constant 1 : i32
      %add3A_225 = arith.addi %mul3A_223, %add3A_224 : i32
      %add3A_226 = arith.constant 3 : i32
      %add3A_227 = arith.addi %add3A_225, %add3A_226 : i32
      %lt3A_228 = arith.constant 1024 : i32
      %lt3A_229 = arith.cmpi slt, %add3A_227, %lt3A_228 : i32
      %convert_element_type3A_230 = arith.extui %lt3A_229 : i1 to i32
      %cond3A_231 = arith.constant 0 : i32
      %cond3A_232 = arith.cmpi ne, %convert_element_type3A_230, %cond3A_231 : i32
      scf.if %cond3A_232 {
        %add3A_306 = arith.addi %mul3A_2, %add3A_227 : i32
        %dma_start3A_307 = arith.constant 0 : i32
        %dma_start3A_308 = tpu.memref_slice %arg2[%add3A_306, %dma_start3A_307] : memref<65536x32768xf32, #tpu.memory_space<hbm>> -> memref<1x32768xf32, #tpu.memory_space<hbm>>
        %dma_start3A_309 = tpu.memref_squeeze %dma_start3A_308 : memref<1x32768xf32, #tpu.memory_space<hbm>> -> memref<32768xf32, #tpu.memory_space<hbm>>
        %dma_start3A_310 = arith.constant 0 : i32
        %dma_start3A_311 = tpu.memref_slice %arg2[%add3A_306, %dma_start3A_310] : memref<65536x32768xf32, #tpu.memory_space<hbm>> -> memref<1x32768xf32, #tpu.memory_space<hbm>>
        %dma_start3A_312 = tpu.memref_squeeze %dma_start3A_311 : memref<1x32768xf32, #tpu.memory_space<hbm>> -> memref<32768xf32, #tpu.memory_space<hbm>>
        tpu.enqueue_dma source(%dma_start3A_312 : memref<32768xf32, #tpu.memory_space<hbm>>) target(%arg5 : memref<32768xf32, #tpu.memory_space<vmem>>) target_semaphore(%arg9 : memref<!tpu.dma_semaphore, #tpu.memory_space<semaphore_mem>>)
      } else {
      }
      %dma_wait3A_233 = arith.constant 0 : i32
      %dma_wait3A_234 = tpu.memref_slice %arg2[%mul3A_2, %dma_wait3A_233] : memref<65536x32768xf32, #tpu.memory_space<hbm>> -> memref<1x32768xf32, #tpu.memory_space<hbm>>
      %dma_wait3A_235 = tpu.memref_squeeze %dma_wait3A_234 : memref<1x32768xf32, #tpu.memory_space<hbm>> -> memref<32768xf32, #tpu.memory_space<hbm>>
      %dma_wait3A_236 = arith.constant 0 : i32
      %dma_wait3A_237 = tpu.memref_slice %arg2[%mul3A_2, %dma_wait3A_236] : memref<65536x32768xf32, #tpu.memory_space<hbm>> -> memref<1x32768xf32, #tpu.memory_space<hbm>>
      %dma_wait3A_238 = tpu.memref_squeeze %dma_wait3A_237 : memref<1x32768xf32, #tpu.memory_space<hbm>> -> memref<32768xf32, #tpu.memory_space<hbm>>
      tpu.wait_dma2 semaphore(%arg10 : memref<!tpu.dma_semaphore, #tpu.memory_space<semaphore_mem>>) src(%dma_wait3A_238 : memref<32768xf32, #tpu.memory_space<hbm>>) dst(%arg6 : memref<32768xf32, #tpu.memory_space<vmem>>)
      %scan3A_239 = arith.constant 0 : i32
      %scan3A_240 = arith.constant 64 : i32
      %scan3A_241 = arith.addi %scan3A_239, %scan3A_240 : i32
      %scan3A_242 = arith.constant 1 : i32
      %scan3A_243:16 = scf.for %scan3A_306 = %scan3A_239 to %scan3A_241 step %scan3A_242 iter_args(%scan3A_307 = %broadcast_in_dim3A_26, %scan3A_308 = %broadcast_in_dim3A_26, %scan3A_309 = %broadcast_in_dim3A_26, %scan3A_310 = %broadcast_in_dim3A_26, %scan3A_311 = %broadcast_in_dim3A_26, %scan3A_312 = %broadcast_in_dim3A_26, %scan3A_313 = %broadcast_in_dim3A_26, %scan3A_314 = %broadcast_in_dim3A_26, %scan3A_315 = %broadcast_in_dim3A_26, %scan3A_316 = %broadcast_in_dim3A_26, %scan3A_317 = %broadcast_in_dim3A_26, %scan3A_318 = %broadcast_in_dim3A_26, %scan3A_319 = %broadcast_in_dim3A_26, %scan3A_320 = %broadcast_in_dim3A_26, %scan3A_321 = %broadcast_in_dim3A_26, %scan3A_322 = %broadcast_in_dim3A_26) -> (vector<16xf32>, vector<16xf32>, vector<16xf32>, vector<16xf32>, vector<16xf32>, vector<16xf32>, vector<16xf32>, vector<16xf32>, vector<16xf32>, vector<16xf32>, vector<16xf32>, vector<16xf32>, vector<16xf32>, vector<16xf32>, vector<16xf32>, vector<16xf32>)  : i32 {
        %mul3A_323 = arith.constant 512 : i32
        %mul3A_324 = arith.muli %scan3A_306, %mul3A_323 : i32
        %add3A_325 = arith.constant 0 : i32
        %add3A_326 = arith.addi %mul3A_324, %add3A_325 : i32
        %get3A = arith.index_cast %add3A_326 : i32 to index
        %get3A_327 = tpu.vector_load %arg6[%get3A] {strides = array<i32>} : memref<32768xf32, #tpu.memory_space<vmem>>, vector<16xf32>,
        %min3A_328 = arith.minimumf %scan3A_307, %get3A_327 : vector<16xf32>
        %max3A_329 = arith.maximumf %scan3A_307, %get3A_327 : vector<16xf32>
        %max3A_330 = arith.maximumf %scan3A_308, %min3A_328 : vector<16xf32>
        %add3A_331 = arith.constant 16 : i32
        %add3A_332 = arith.addi %mul3A_324, %add3A_331 : i32
        %get3A_333 = arith.index_cast %add3A_332 : i32 to index
        %get3A_334 = tpu.vector_load %arg6[%get3A_333] {strides = array<i32>} : memref<32768xf32, #tpu.memory_space<vmem>>, vector<16xf32>,
        %min3A_335 = arith.minimumf %scan3A_309, %get3A_334 : vector<16xf32>
        %max3A_336 = arith.maximumf %scan3A_309, %get3A_334 : vector<16xf32>
        %max3A_337 = arith.maximumf %scan3A_310, %min3A_335 : vector<16xf32>
        %add3A_338 = arith.constant 32 : i32
        %add3A_339 = arith.addi %mul3A_324, %add3A_338 : i32
        %get3A_340 = arith.index_cast %add3A_339 : i32 to index
        %get3A_341 = tpu.vector_load %arg6[%get3A_340] {strides = array<i32>} : memref<32768xf32, #tpu.memory_space<vmem>>, vector<16xf32>,
        %min3A_342 = arith.minimumf %scan3A_311, %get3A_341 : vector<16xf32>
        %max3A_343 = arith.maximumf %scan3A_311, %get3A_341 : vector<16xf32>
        %max3A_344 = arith.maximumf %scan3A_312, %min3A_342 : vector<16xf32>
        %add3A_345 = arith.constant 48 : i32
        %add3A_346 = arith.addi %mul3A_324, %add3A_345 : i32
        %get3A_347 = arith.index_cast %add3A_346 : i32 to index
        %get3A_348 = tpu.vector_load %arg6[%get3A_347] {strides = array<i32>} : memref<32768xf32, #tpu.memory_space<vmem>>, vector<16xf32>,
        %min3A_349 = arith.minimumf %scan3A_313, %get3A_348 : vector<16xf32>
        %max3A_350 = arith.maximumf %scan3A_313, %get3A_348 : vector<16xf32>
        %max3A_351 = arith.maximumf %scan3A_314, %min3A_349 : vector<16xf32>
        %add3A_352 = arith.constant 64 : i32
        %add3A_353 = arith.addi %mul3A_324, %add3A_352 : i32
        %get3A_354 = arith.index_cast %add3A_353 : i32 to index
        %get3A_355 = tpu.vector_load %arg6[%get3A_354] {strides = array<i32>} : memref<32768xf32, #tpu.memory_space<vmem>>, vector<16xf32>,
        %min3A_356 = arith.minimumf %scan3A_315, %get3A_355 : vector<16xf32>
        %max3A_357 = arith.maximumf %scan3A_315, %get3A_355 : vector<16xf32>
        %max3A_358 = arith.maximumf %scan3A_316, %min3A_356 : vector<16xf32>
        %add3A_359 = arith.constant 80 : i32
        %add3A_360 = arith.addi %mul3A_324, %add3A_359 : i32
        %get3A_361 = arith.index_cast %add3A_360 : i32 to index
        %get3A_362 = tpu.vector_load %arg6[%get3A_361] {strides = array<i32>} : memref<32768xf32, #tpu.memory_space<vmem>>, vector<16xf32>,
        %min3A_363 = arith.minimumf %scan3A_317, %get3A_362 : vector<16xf32>
        %max3A_364 = arith.maximumf %scan3A_317, %get3A_362 : vector<16xf32>
        %max3A_365 = arith.maximumf %scan3A_318, %min3A_363 : vector<16xf32>
        %add3A_366 = arith.constant 96 : i32
        %add3A_367 = arith.addi %mul3A_324, %add3A_366 : i32
        %get3A_368 = arith.index_cast %add3A_367 : i32 to index
        %get3A_369 = tpu.vector_load %arg6[%get3A_368] {strides = array<i32>} : memref<32768xf32, #tpu.memory_space<vmem>>, vector<16xf32>,
        %min3A_370 = arith.minimumf %scan3A_319, %get3A_369 : vector<16xf32>
        %max3A_371 = arith.maximumf %scan3A_319, %get3A_369 : vector<16xf32>
        %max3A_372 = arith.maximumf %scan3A_320, %min3A_370 : vector<16xf32>
        %add3A_373 = arith.constant 112 : i32
        %add3A_374 = arith.addi %mul3A_324, %add3A_373 : i32
        %get3A_375 = arith.index_cast %add3A_374 : i32 to index
        %get3A_376 = tpu.vector_load %arg6[%get3A_375] {strides = array<i32>} : memref<32768xf32, #tpu.memory_space<vmem>>, vector<16xf32>,
        %min3A_377 = arith.minimumf %scan3A_321, %get3A_376 : vector<16xf32>
        %max3A_378 = arith.maximumf %scan3A_321, %get3A_376 : vector<16xf32>
        %max3A_379 = arith.maximumf %scan3A_322, %min3A_377 : vector<16xf32>
        %add3A_380 = arith.constant 128 : i32
        %add3A_381 = arith.addi %mul3A_324, %add3A_380 : i32
        %get3A_382 = arith.index_cast %add3A_381 : i32 to index
        %get3A_383 = tpu.vector_load %arg6[%get3A_382] {strides = array<i32>} : memref<32768xf32, #tpu.memory_space<vmem>>, vector<16xf32>,
        %min3A_384 = arith.minimumf %max3A_329, %get3A_383 : vector<16xf32>
        %max3A_385 = arith.maximumf %max3A_329, %get3A_383 : vector<16xf32>
        %max3A_386 = arith.maximumf %max3A_330, %min3A_384 : vector<16xf32>
        %add3A_387 = arith.constant 144 : i32
        %add3A_388 = arith.addi %mul3A_324, %add3A_387 : i32
        %get3A_389 = arith.index_cast %add3A_388 : i32 to index
        %get3A_390 = tpu.vector_load %arg6[%get3A_389] {strides = array<i32>} : memref<32768xf32, #tpu.memory_space<vmem>>, vector<16xf32>,
        %min3A_391 = arith.minimumf %max3A_336, %get3A_390 : vector<16xf32>
        %max3A_392 = arith.maximumf %max3A_336, %get3A_390 : vector<16xf32>
        %max3A_393 = arith.maximumf %max3A_337, %min3A_391 : vector<16xf32>
        %add3A_394 = arith.constant 160 : i32
        %add3A_395 = arith.addi %mul3A_324, %add3A_394 : i32
        %get3A_396 = arith.index_cast %add3A_395 : i32 to index
        %get3A_397 = tpu.vector_load %arg6[%get3A_396] {strides = array<i32>} : memref<32768xf32, #tpu.memory_space<vmem>>, vector<16xf32>,
        %min3A_398 = arith.minimumf %max3A_343, %get3A_397 : vector<16xf32>
        %max3A_399 = arith.maximumf %max3A_343, %get3A_397 : vector<16xf32>
        %max3A_400 = arith.maximumf %max3A_344, %min3A_398 : vector<16xf32>
        %add3A_401 = arith.constant 176 : i32
        %add3A_402 = arith.addi %mul3A_324, %add3A_401 : i32
        %get3A_403 = arith.index_cast %add3A_402 : i32 to index
        %get3A_404 = tpu.vector_load %arg6[%get3A_403] {strides = array<i32>} : memref<32768xf32, #tpu.memory_space<vmem>>, vector<16xf32>,
        %min3A_405 = arith.minimumf %max3A_350, %get3A_404 : vector<16xf32>
        %max3A_406 = arith.maximumf %max3A_350, %get3A_404 : vector<16xf32>
        %max3A_407 = arith.maximumf %max3A_351, %min3A_405 : vector<16xf32>
        %add3A_408 = arith.constant 192 : i32
        %add3A_409 = arith.addi %mul3A_324, %add3A_408 : i32
        %get3A_410 = arith.index_cast %add3A_409 : i32 to index
        %get3A_411 = tpu.vector_load %arg6[%get3A_410] {strides = array<i32>} : memref<32768xf32, #tpu.memory_space<vmem>>, vector<16xf32>,
        %min3A_412 = arith.minimumf %max3A_357, %get3A_411 : vector<16xf32>
        %max3A_413 = arith.maximumf %max3A_357, %get3A_411 : vector<16xf32>
        %max3A_414 = arith.maximumf %max3A_358, %min3A_412 : vector<16xf32>
        %add3A_415 = arith.constant 208 : i32
        %add3A_416 = arith.addi %mul3A_324, %add3A_415 : i32
        %get3A_417 = arith.index_cast %add3A_416 : i32 to index
        %get3A_418 = tpu.vector_load %arg6[%get3A_417] {strides = array<i32>} : memref<32768xf32, #tpu.memory_space<vmem>>, vector<16xf32>,
        %min3A_419 = arith.minimumf %max3A_364, %get3A_418 : vector<16xf32>
        %max3A_420 = arith.maximumf %max3A_364, %get3A_418 : vector<16xf32>
        %max3A_421 = arith.maximumf %max3A_365, %min3A_419 : vector<16xf32>
        %add3A_422 = arith.constant 224 : i32
        %add3A_423 = arith.addi %mul3A_324, %add3A_422 : i32
        %get3A_424 = arith.index_cast %add3A_423 : i32 to index
        %get3A_425 = tpu.vector_load %arg6[%get3A_424] {strides = array<i32>} : memref<32768xf32, #tpu.memory_space<vmem>>, vector<16xf32>,
        %min3A_426 = arith.minimumf %max3A_371, %get3A_425 : vector<16xf32>
        %max3A_427 = arith.maximumf %max3A_371, %get3A_425 : vector<16xf32>
        %max3A_428 = arith.maximumf %max3A_372, %min3A_426 : vector<16xf32>
        %add3A_429 = arith.constant 240 : i32
        %add3A_430 = arith.addi %mul3A_324, %add3A_429 : i32
        %get3A_431 = arith.index_cast %add3A_430 : i32 to index
        %get3A_432 = tpu.vector_load %arg6[%get3A_431] {strides = array<i32>} : memref<32768xf32, #tpu.memory_space<vmem>>, vector<16xf32>,
        %min3A_433 = arith.minimumf %max3A_378, %get3A_432 : vector<16xf32>
        %max3A_434 = arith.maximumf %max3A_378, %get3A_432 : vector<16xf32>
        %max3A_435 = arith.maximumf %max3A_379, %min3A_433 : vector<16xf32>
        %add3A_436 = arith.constant 256 : i32
        %add3A_437 = arith.addi %mul3A_324, %add3A_436 : i32
        %get3A_438 = arith.index_cast %add3A_437 : i32 to index
        %get3A_439 = tpu.vector_load %arg6[%get3A_438] {strides = array<i32>} : memref<32768xf32, #tpu.memory_space<vmem>>, vector<16xf32>,
        %min3A_440 = arith.minimumf %max3A_385, %get3A_439 : vector<16xf32>
        %max3A_441 = arith.maximumf %max3A_385, %get3A_439 : vector<16xf32>
        %max3A_442 = arith.maximumf %max3A_386, %min3A_440 : vector<16xf32>
        %add3A_443 = arith.constant 272 : i32
        %add3A_444 = arith.addi %mul3A_324, %add3A_443 : i32
        %get3A_445 = arith.index_cast %add3A_444 : i32 to index
        %get3A_446 = tpu.vector_load %arg6[%get3A_445] {strides = array<i32>} : memref<32768xf32, #tpu.memory_space<vmem>>, vector<16xf32>,
        %min3A_447 = arith.minimumf %max3A_392, %get3A_446 : vector<16xf32>
        %max3A_448 = arith.maximumf %max3A_392, %get3A_446 : vector<16xf32>
        %max3A_449 = arith.maximumf %max3A_393, %min3A_447 : vector<16xf32>
        %add3A_450 = arith.constant 288 : i32
        %add3A_451 = arith.addi %mul3A_324, %add3A_450 : i32
        %get3A_452 = arith.index_cast %add3A_451 : i32 to index
        %get3A_453 = tpu.vector_load %arg6[%get3A_452] {strides = array<i32>} : memref<32768xf32, #tpu.memory_space<vmem>>, vector<16xf32>,
        %min3A_454 = arith.minimumf %max3A_399, %get3A_453 : vector<16xf32>
        %max3A_455 = arith.maximumf %max3A_399, %get3A_453 : vector<16xf32>
        %max3A_456 = arith.maximumf %max3A_400, %min3A_454 : vector<16xf32>
        %add3A_457 = arith.constant 304 : i32
        %add3A_458 = arith.addi %mul3A_324, %add3A_457 : i32
        %get3A_459 = arith.index_cast %add3A_458 : i32 to index
        %get3A_460 = tpu.vector_load %arg6[%get3A_459] {strides = array<i32>} : memref<32768xf32, #tpu.memory_space<vmem>>, vector<16xf32>,
        %min3A_461 = arith.minimumf %max3A_406, %get3A_460 : vector<16xf32>
        %max3A_462 = arith.maximumf %max3A_406, %get3A_460 : vector<16xf32>
        %max3A_463 = arith.maximumf %max3A_407, %min3A_461 : vector<16xf32>
        %add3A_464 = arith.constant 320 : i32
        %add3A_465 = arith.addi %mul3A_324, %add3A_464 : i32
        %get3A_466 = arith.index_cast %add3A_465 : i32 to index
        %get3A_467 = tpu.vector_load %arg6[%get3A_466] {strides = array<i32>} : memref<32768xf32, #tpu.memory_space<vmem>>, vector<16xf32>,
        %min3A_468 = arith.minimumf %max3A_413, %get3A_467 : vector<16xf32>
        %max3A_469 = arith.maximumf %max3A_413, %get3A_467 : vector<16xf32>
        %max3A_470 = arith.maximumf %max3A_414, %min3A_468 : vector<16xf32>
        %add3A_471 = arith.constant 336 : i32
        %add3A_472 = arith.addi %mul3A_324, %add3A_471 : i32
        %get3A_473 = arith.index_cast %add3A_472 : i32 to index
        %get3A_474 = tpu.vector_load %arg6[%get3A_473] {strides = array<i32>} : memref<32768xf32, #tpu.memory_space<vmem>>, vector<16xf32>,
        %min3A_475 = arith.minimumf %max3A_420, %get3A_474 : vector<16xf32>
        %max3A_476 = arith.maximumf %max3A_420, %get3A_474 : vector<16xf32>
        %max3A_477 = arith.maximumf %max3A_421, %min3A_475 : vector<16xf32>
        %add3A_478 = arith.constant 352 : i32
        %add3A_479 = arith.addi %mul3A_324, %add3A_478 : i32
        %get3A_480 = arith.index_cast %add3A_479 : i32 to index
        %get3A_481 = tpu.vector_load %arg6[%get3A_480] {strides = array<i32>} : memref<32768xf32, #tpu.memory_space<vmem>>, vector<16xf32>,
        %min3A_482 = arith.minimumf %max3A_427, %get3A_481 : vector<16xf32>
        %max3A_483 = arith.maximumf %max3A_427, %get3A_481 : vector<16xf32>
        %max3A_484 = arith.maximumf %max3A_428, %min3A_482 : vector<16xf32>
        %add3A_485 = arith.constant 368 : i32
        %add3A_486 = arith.addi %mul3A_324, %add3A_485 : i32
        %get3A_487 = arith.index_cast %add3A_486 : i32 to index
        %get3A_488 = tpu.vector_load %arg6[%get3A_487] {strides = array<i32>} : memref<32768xf32, #tpu.memory_space<vmem>>, vector<16xf32>,
        %min3A_489 = arith.minimumf %max3A_434, %get3A_488 : vector<16xf32>
        %max3A_490 = arith.maximumf %max3A_434, %get3A_488 : vector<16xf32>
        %max3A_491 = arith.maximumf %max3A_435, %min3A_489 : vector<16xf32>
        %add3A_492 = arith.constant 384 : i32
        %add3A_493 = arith.addi %mul3A_324, %add3A_492 : i32
        %get3A_494 = arith.index_cast %add3A_493 : i32 to index
        %get3A_495 = tpu.vector_load %arg6[%get3A_494] {strides = array<i32>} : memref<32768xf32, #tpu.memory_space<vmem>>, vector<16xf32>,
        %min3A_496 = arith.minimumf %max3A_441, %get3A_495 : vector<16xf32>
        %max3A_497 = arith.maximumf %max3A_441, %get3A_495 : vector<16xf32>
        %max3A_498 = arith.maximumf %max3A_442, %min3A_496 : vector<16xf32>
        %add3A_499 = arith.constant 400 : i32
        %add3A_500 = arith.addi %mul3A_324, %add3A_499 : i32
        %get3A_501 = arith.index_cast %add3A_500 : i32 to index
        %get3A_502 = tpu.vector_load %arg6[%get3A_501] {strides = array<i32>} : memref<32768xf32, #tpu.memory_space<vmem>>, vector<16xf32>,
        %min3A_503 = arith.minimumf %max3A_448, %get3A_502 : vector<16xf32>
        %max3A_504 = arith.maximumf %max3A_448, %get3A_502 : vector<16xf32>
        %max3A_505 = arith.maximumf %max3A_449, %min3A_503 : vector<16xf32>
        %add3A_506 = arith.constant 416 : i32
        %add3A_507 = arith.addi %mul3A_324, %add3A_506 : i32
        %get3A_508 = arith.index_cast %add3A_507 : i32 to index
        %get3A_509 = tpu.vector_load %arg6[%get3A_508] {strides = array<i32>} : memref<32768xf32, #tpu.memory_space<vmem>>, vector<16xf32>,
        %min3A_510 = arith.minimumf %max3A_455, %get3A_509 : vector<16xf32>
        %max3A_511 = arith.maximumf %max3A_455, %get3A_509 : vector<16xf32>
        %max3A_512 = arith.maximumf %max3A_456, %min3A_510 : vector<16xf32>
        %add3A_513 = arith.constant 432 : i32
        %add3A_514 = arith.addi %mul3A_324, %add3A_513 : i32
        %get3A_515 = arith.index_cast %add3A_514 : i32 to index
        %get3A_516 = tpu.vector_load %arg6[%get3A_515] {strides = array<i32>} : memref<32768xf32, #tpu.memory_space<vmem>>, vector<16xf32>,
        %min3A_517 = arith.minimumf %max3A_462, %get3A_516 : vector<16xf32>
        %max3A_518 = arith.maximumf %max3A_462, %get3A_516 : vector<16xf32>
        %max3A_519 = arith.maximumf %max3A_463, %min3A_517 : vector<16xf32>
        %add3A_520 = arith.constant 448 : i32
        %add3A_521 = arith.addi %mul3A_324, %add3A_520 : i32
        %get3A_522 = arith.index_cast %add3A_521 : i32 to index
        %get3A_523 = tpu.vector_load %arg6[%get3A_522] {strides = array<i32>} : memref<32768xf32, #tpu.memory_space<vmem>>, vector<16xf32>,
        %min3A_524 = arith.minimumf %max3A_469, %get3A_523 : vector<16xf32>
        %max3A_525 = arith.maximumf %max3A_469, %get3A_523 : vector<16xf32>
        %max3A_526 = arith.maximumf %max3A_470, %min3A_524 : vector<16xf32>
        %add3A_527 = arith.constant 464 : i32
        %add3A_528 = arith.addi %mul3A_324, %add3A_527 : i32
        %get3A_529 = arith.index_cast %add3A_528 : i32 to index
        %get3A_530 = tpu.vector_load %arg6[%get3A_529] {strides = array<i32>} : memref<32768xf32, #tpu.memory_space<vmem>>, vector<16xf32>,
        %min3A_531 = arith.minimumf %max3A_476, %get3A_530 : vector<16xf32>
        %max3A_532 = arith.maximumf %max3A_476, %get3A_530 : vector<16xf32>
        %max3A_533 = arith.maximumf %max3A_477, %min3A_531 : vector<16xf32>
        %add3A_534 = arith.constant 480 : i32
        %add3A_535 = arith.addi %mul3A_324, %add3A_534 : i32
        %get3A_536 = arith.index_cast %add3A_535 : i32 to index
        %get3A_537 = tpu.vector_load %arg6[%get3A_536] {strides = array<i32>} : memref<32768xf32, #tpu.memory_space<vmem>>, vector<16xf32>,
        %min3A_538 = arith.minimumf %max3A_483, %get3A_537 : vector<16xf32>
        %max3A_539 = arith.maximumf %max3A_483, %get3A_537 : vector<16xf32>
        %max3A_540 = arith.maximumf %max3A_484, %min3A_538 : vector<16xf32>
        %add3A_541 = arith.constant 496 : i32
        %add3A_542 = arith.addi %mul3A_324, %add3A_541 : i32
        %get3A_543 = arith.index_cast %add3A_542 : i32 to index
        %get3A_544 = tpu.vector_load %arg6[%get3A_543] {strides = array<i32>} : memref<32768xf32, #tpu.memory_space<vmem>>, vector<16xf32>,
        %min3A_545 = arith.minimumf %max3A_490, %get3A_544 : vector<16xf32>
        %max3A_546 = arith.maximumf %max3A_490, %get3A_544 : vector<16xf32>
        %max3A_547 = arith.maximumf %max3A_491, %min3A_545 : vector<16xf32>
        scf.yield %max3A_497, %max3A_498, %max3A_504, %max3A_505, %max3A_511, %max3A_512, %max3A_518, %max3A_519, %max3A_525, %max3A_526, %max3A_532, %max3A_533, %max3A_539, %max3A_540, %max3A_546, %max3A_547 : vector<16xf32>, vector<16xf32>, vector<16xf32>, vector<16xf32>, vector<16xf32>, vector<16xf32>, vector<16xf32>, vector<16xf32>, vector<16xf32>, vector<16xf32>, vector<16xf32>, vector<16xf32>, vector<16xf32>, vector<16xf32>, vector<16xf32>, vector<16xf32>
      }
      %scan3A_244 = arith.constant 64 : i32
      %max3A_245 = arith.maximumf %scan3A_243#0, %scan3A_243#2 : vector<16xf32>
      %min3A_246 = arith.minimumf %scan3A_243#0, %scan3A_243#2 : vector<16xf32>
      %max3A_247 = arith.maximumf %scan3A_243#1, %scan3A_243#3 : vector<16xf32>
      %max3A_248 = arith.maximumf %max3A_247, %min3A_246 : vector<16xf32>
      %max3A_249 = arith.maximumf %scan3A_243#4, %scan3A_243#6 : vector<16xf32>
      %min3A_250 = arith.minimumf %scan3A_243#4, %scan3A_243#6 : vector<16xf32>
      %max3A_251 = arith.maximumf %scan3A_243#5, %scan3A_243#7 : vector<16xf32>
      %max3A_252 = arith.maximumf %max3A_251, %min3A_250 : vector<16xf32>
      %max3A_253 = arith.maximumf %scan3A_243#8, %scan3A_243#10 : vector<16xf32>
      %min3A_254 = arith.minimumf %scan3A_243#8, %scan3A_243#10 : vector<16xf32>
      %max3A_255 = arith.maximumf %scan3A_243#9, %scan3A_243#11 : vector<16xf32>
      %max3A_256 = arith.maximumf %max3A_255, %min3A_254 : vector<16xf32>
      %max3A_257 = arith.maximumf %scan3A_243#12, %scan3A_243#14 : vector<16xf32>
      %min3A_258 = arith.minimumf %scan3A_243#12, %scan3A_243#14 : vector<16xf32>
      %max3A_259 = arith.maximumf %scan3A_243#13, %scan3A_243#15 : vector<16xf32>
      %max3A_260 = arith.maximumf %max3A_259, %min3A_258 : vector<16xf32>
      %max3A_261 = arith.maximumf %max3A_245, %max3A_249 : vector<16xf32>
      %min3A_262 = arith.minimumf %max3A_245, %max3A_249 : vector<16xf32>
      %max3A_263 = arith.maximumf %max3A_248, %max3A_252 : vector<16xf32>
      %max3A_264 = arith.maximumf %max3A_263, %min3A_262 : vector<16xf32>
      %max3A_265 = arith.maximumf %max3A_253, %max3A_257 : vector<16xf32>
      %min3A_266 = arith.minimumf %max3A_253, %max3A_257 : vector<16xf32>
      %max3A_267 = arith.maximumf %max3A_256, %max3A_260 : vector<16xf32>
      %max3A_268 = arith.maximumf %max3A_267, %min3A_266 : vector<16xf32>
      %max3A_269 = arith.maximumf %max3A_261, %max3A_265 : vector<16xf32>
      %min3A_270 = arith.minimumf %max3A_261, %max3A_265 : vector<16xf32>
      %max3A_271 = arith.maximumf %max3A_264, %max3A_268 : vector<16xf32>
      %max3A_272 = arith.maximumf %max3A_271, %min3A_270 : vector<16xf32>
      %reduce_max3A_273 = arith.constant true
      %reduce_max3A_274 = vector.broadcast %reduce_max3A_273 : i1 to vector<16xi1>
      %reduce_max3A_275 = tpu.scan <max>, %max3A_269 masked %reduce_max3A_274 : vector<16xf32>, vector<16xi1> -> vector<16xf32>
      %reduce_max3A_276 = vector.extract %reduce_max3A_275[15] : f32 from vector<16xf32>
      %eq3A_277 = vector.broadcast %reduce_max3A_276 : f32 to vector<16xf32>
      %eq3A_278 = arith.cmpf oeq, %max3A_269, %eq3A_277 : vector<16xf32>
      %convert_element_type3A_279 = arith.extui %eq3A_278 : vector<16xi1> to vector<16xi32>
      %cumsum3A_280 = arith.constant true
      %cumsum3A_281 = vector.broadcast %cumsum3A_280 : i1 to vector<16xi1>
      %cumsum3A_282 = tpu.scan <sum>, %convert_element_type3A_279 masked %cumsum3A_281 : vector<16xi32>, vector<16xi1> -> vector<16xi32>
      %eq3A_283 = arith.constant 1 : i32
      %eq3A_284 = vector.broadcast %eq3A_283 : i32 to vector<16xi32>
      %eq3A_285 = arith.cmpi eq, %cumsum3A_282, %eq3A_284 : vector<16xi32>
      %and3A_286 = arith.andi %eq3A_278, %eq3A_285 : vector<16xi1>
      %select_n3A_287 = arith.select %and3A_286, %max3A_272, %max3A_269 : vector<16xi1>, vector<16xf32>
      %reduce_max3A_288 = arith.constant true
      %reduce_max3A_289 = vector.broadcast %reduce_max3A_288 : i1 to vector<16xi1>
      %reduce_max3A_290 = tpu.scan <max>, %select_n3A_287 masked %reduce_max3A_289 : vector<16xf32>, vector<16xi1> -> vector<16xf32>
      %reduce_max3A_291 = vector.extract %reduce_max3A_290[15] : f32 from vector<16xf32>
      %sub3A_292 = arith.subf %reduce_max3A_276, %reduce_max3A_291 : f32
      %add3A_293 = vector.broadcast %sub3A_292 : f32 to vector<16xf32>
      %add3A_294 = arith.addf %add3A_221, %add3A_293 : vector<16xf32>
      %mul3A_295 = arith.constant 3 : i32
      %mul3A_296 = arith.muli %scan3A_87, %mul3A_295 : i32
      %add3A_297 = arith.constant 2 : i32
      %add3A_298 = arith.addi %mul3A_296, %add3A_297 : i32
      %add3A_299 = arith.constant 3 : i32
      %add3A_300 = arith.addi %add3A_298, %add3A_299 : i32
      %lt3A_301 = arith.constant 1024 : i32
      %lt3A_302 = arith.cmpi slt, %add3A_300, %lt3A_301 : i32
      %convert_element_type3A_303 = arith.extui %lt3A_302 : i1 to i32
      %cond3A_304 = arith.constant 0 : i32
      %cond3A_305 = arith.cmpi ne, %convert_element_type3A_303, %cond3A_304 : i32
      scf.if %cond3A_305 {
        %add3A_306 = arith.addi %mul3A_2, %add3A_300 : i32
        %dma_start3A_307 = arith.constant 0 : i32
        %dma_start3A_308 = tpu.memref_slice %arg2[%add3A_306, %dma_start3A_307] : memref<65536x32768xf32, #tpu.memory_space<hbm>> -> memref<1x32768xf32, #tpu.memory_space<hbm>>
        %dma_start3A_309 = tpu.memref_squeeze %dma_start3A_308 : memref<1x32768xf32, #tpu.memory_space<hbm>> -> memref<32768xf32, #tpu.memory_space<hbm>>
        %dma_start3A_310 = arith.constant 0 : i32
        %dma_start3A_311 = tpu.memref_slice %arg2[%add3A_306, %dma_start3A_310] : memref<65536x32768xf32, #tpu.memory_space<hbm>> -> memref<1x32768xf32, #tpu.memory_space<hbm>>
        %dma_start3A_312 = tpu.memref_squeeze %dma_start3A_311 : memref<1x32768xf32, #tpu.memory_space<hbm>> -> memref<32768xf32, #tpu.memory_space<hbm>>
        tpu.enqueue_dma source(%dma_start3A_312 : memref<32768xf32, #tpu.memory_space<hbm>>) target(%arg6 : memref<32768xf32, #tpu.memory_space<vmem>>) target_semaphore(%arg10 : memref<!tpu.dma_semaphore, #tpu.memory_space<semaphore_mem>>)
      } else {
      }
      scf.yield %add3A_294 : vector<16xf32>
    }
    %scan3A_33 = arith.constant 341 : i32
    %dma_wait3A = arith.constant 0 : i32
    %dma_wait3A_34 = tpu.memref_slice %arg2[%mul3A_2, %dma_wait3A] : memref<65536x32768xf32, #tpu.memory_space<hbm>> -> memref<1x32768xf32, #tpu.memory_space<hbm>>
    %dma_wait3A_35 = tpu.memref_squeeze %dma_wait3A_34 : memref<1x32768xf32, #tpu.memory_space<hbm>> -> memref<32768xf32, #tpu.memory_space<hbm>>
    %dma_wait3A_36 = arith.constant 0 : i32
    %dma_wait3A_37 = tpu.memref_slice %arg2[%mul3A_2, %dma_wait3A_36] : memref<65536x32768xf32, #tpu.memory_space<hbm>> -> memref<1x32768xf32, #tpu.memory_space<hbm>>
    %dma_wait3A_38 = tpu.memref_squeeze %dma_wait3A_37 : memref<1x32768xf32, #tpu.memory_space<hbm>> -> memref<32768xf32, #tpu.memory_space<hbm>>
    tpu.wait_dma2 semaphore(%arg8 : memref<!tpu.dma_semaphore, #tpu.memory_space<semaphore_mem>>) src(%dma_wait3A_38 : memref<32768xf32, #tpu.memory_space<hbm>>) dst(%arg4 : memref<32768xf32, #tpu.memory_space<vmem>>)
    %scan3A_39 = arith.constant 0 : i32
    %scan3A_40 = arith.constant 64 : i32
    %scan3A_41 = arith.addi %scan3A_39, %scan3A_40 : i32
    %scan3A_42 = arith.constant 1 : i32
    %scan3A_43:16 = scf.for %scan3A_87 = %scan3A_39 to %scan3A_41 step %scan3A_42 iter_args(%scan3A_88 = %broadcast_in_dim3A_26, %scan3A_89 = %broadcast_in_dim3A_26, %scan3A_90 = %broadcast_in_dim3A_26, %scan3A_91 = %broadcast_in_dim3A_26, %scan3A_92 = %broadcast_in_dim3A_26, %scan3A_93 = %broadcast_in_dim3A_26, %scan3A_94 = %broadcast_in_dim3A_26, %scan3A_95 = %broadcast_in_dim3A_26, %scan3A_96 = %broadcast_in_dim3A_26, %scan3A_97 = %broadcast_in_dim3A_26, %scan3A_98 = %broadcast_in_dim3A_26, %scan3A_99 = %broadcast_in_dim3A_26, %scan3A_100 = %broadcast_in_dim3A_26, %scan3A_101 = %broadcast_in_dim3A_26, %scan3A_102 = %broadcast_in_dim3A_26, %scan3A_103 = %broadcast_in_dim3A_26) -> (vector<16xf32>, vector<16xf32>, vector<16xf32>, vector<16xf32>, vector<16xf32>, vector<16xf32>, vector<16xf32>, vector<16xf32>, vector<16xf32>, vector<16xf32>, vector<16xf32>, vector<16xf32>, vector<16xf32>, vector<16xf32>, vector<16xf32>, vector<16xf32>)  : i32 {
      %mul3A_104 = arith.constant 512 : i32
      %mul3A_105 = arith.muli %scan3A_87, %mul3A_104 : i32
      %add3A_106 = arith.constant 0 : i32
      %add3A_107 = arith.addi %mul3A_105, %add3A_106 : i32
      %get3A = arith.index_cast %add3A_107 : i32 to index
      %get3A_108 = tpu.vector_load %arg4[%get3A] {strides = array<i32>} : memref<32768xf32, #tpu.memory_space<vmem>>, vector<16xf32>,
      %min3A_109 = arith.minimumf %scan3A_88, %get3A_108 : vector<16xf32>
      %max3A_110 = arith.maximumf %scan3A_88, %get3A_108 : vector<16xf32>
      %max3A_111 = arith.maximumf %scan3A_89, %min3A_109 : vector<16xf32>
      %add3A_112 = arith.constant 16 : i32
      %add3A_113 = arith.addi %mul3A_105, %add3A_112 : i32
      %get3A_114 = arith.index_cast %add3A_113 : i32 to index
      %get3A_115 = tpu.vector_load %arg4[%get3A_114] {strides = array<i32>} : memref<32768xf32, #tpu.memory_space<vmem>>, vector<16xf32>,
      %min3A_116 = arith.minimumf %scan3A_90, %get3A_115 : vector<16xf32>
      %max3A_117 = arith.maximumf %scan3A_90, %get3A_115 : vector<16xf32>
      %max3A_118 = arith.maximumf %scan3A_91, %min3A_116 : vector<16xf32>
      %add3A_119 = arith.constant 32 : i32
      %add3A_120 = arith.addi %mul3A_105, %add3A_119 : i32
      %get3A_121 = arith.index_cast %add3A_120 : i32 to index
      %get3A_122 = tpu.vector_load %arg4[%get3A_121] {strides = array<i32>} : memref<32768xf32, #tpu.memory_space<vmem>>, vector<16xf32>,
      %min3A_123 = arith.minimumf %scan3A_92, %get3A_122 : vector<16xf32>
      %max3A_124 = arith.maximumf %scan3A_92, %get3A_122 : vector<16xf32>
      %max3A_125 = arith.maximumf %scan3A_93, %min3A_123 : vector<16xf32>
      %add3A_126 = arith.constant 48 : i32
      %add3A_127 = arith.addi %mul3A_105, %add3A_126 : i32
      %get3A_128 = arith.index_cast %add3A_127 : i32 to index
      %get3A_129 = tpu.vector_load %arg4[%get3A_128] {strides = array<i32>} : memref<32768xf32, #tpu.memory_space<vmem>>, vector<16xf32>,
      %min3A_130 = arith.minimumf %scan3A_94, %get3A_129 : vector<16xf32>
      %max3A_131 = arith.maximumf %scan3A_94, %get3A_129 : vector<16xf32>
      %max3A_132 = arith.maximumf %scan3A_95, %min3A_130 : vector<16xf32>
      %add3A_133 = arith.constant 64 : i32
      %add3A_134 = arith.addi %mul3A_105, %add3A_133 : i32
      %get3A_135 = arith.index_cast %add3A_134 : i32 to index
      %get3A_136 = tpu.vector_load %arg4[%get3A_135] {strides = array<i32>} : memref<32768xf32, #tpu.memory_space<vmem>>, vector<16xf32>,
      %min3A_137 = arith.minimumf %scan3A_96, %get3A_136 : vector<16xf32>
      %max3A_138 = arith.maximumf %scan3A_96, %get3A_136 : vector<16xf32>
      %max3A_139 = arith.maximumf %scan3A_97, %min3A_137 : vector<16xf32>
      %add3A_140 = arith.constant 80 : i32
      %add3A_141 = arith.addi %mul3A_105, %add3A_140 : i32
      %get3A_142 = arith.index_cast %add3A_141 : i32 to index
      %get3A_143 = tpu.vector_load %arg4[%get3A_142] {strides = array<i32>} : memref<32768xf32, #tpu.memory_space<vmem>>, vector<16xf32>,
      %min3A_144 = arith.minimumf %scan3A_98, %get3A_143 : vector<16xf32>
      %max3A_145 = arith.maximumf %scan3A_98, %get3A_143 : vector<16xf32>
      %max3A_146 = arith.maximumf %scan3A_99, %min3A_144 : vector<16xf32>
      %add3A_147 = arith.constant 96 : i32
      %add3A_148 = arith.addi %mul3A_105, %add3A_147 : i32
      %get3A_149 = arith.index_cast %add3A_148 : i32 to index
      %get3A_150 = tpu.vector_load %arg4[%get3A_149] {strides = array<i32>} : memref<32768xf32, #tpu.memory_space<vmem>>, vector<16xf32>,
      %min3A_151 = arith.minimumf %scan3A_100, %get3A_150 : vector<16xf32>
      %max3A_152 = arith.maximumf %scan3A_100, %get3A_150 : vector<16xf32>
      %max3A_153 = arith.maximumf %scan3A_101, %min3A_151 : vector<16xf32>
      %add3A_154 = arith.constant 112 : i32
      %add3A_155 = arith.addi %mul3A_105, %add3A_154 : i32
      %get3A_156 = arith.index_cast %add3A_155 : i32 to index
      %get3A_157 = tpu.vector_load %arg4[%get3A_156] {strides = array<i32>} : memref<32768xf32, #tpu.memory_space<vmem>>, vector<16xf32>,
      %min3A_158 = arith.minimumf %scan3A_102, %get3A_157 : vector<16xf32>
      %max3A_159 = arith.maximumf %scan3A_102, %get3A_157 : vector<16xf32>
      %max3A_160 = arith.maximumf %scan3A_103, %min3A_158 : vector<16xf32>
      %add3A_161 = arith.constant 128 : i32
      %add3A_162 = arith.addi %mul3A_105, %add3A_161 : i32
      %get3A_163 = arith.index_cast %add3A_162 : i32 to index
      %get3A_164 = tpu.vector_load %arg4[%get3A_163] {strides = array<i32>} : memref<32768xf32, #tpu.memory_space<vmem>>, vector<16xf32>,
      %min3A_165 = arith.minimumf %max3A_110, %get3A_164 : vector<16xf32>
      %max3A_166 = arith.maximumf %max3A_110, %get3A_164 : vector<16xf32>
      %max3A_167 = arith.maximumf %max3A_111, %min3A_165 : vector<16xf32>
      %add3A_168 = arith.constant 144 : i32
      %add3A_169 = arith.addi %mul3A_105, %add3A_168 : i32
      %get3A_170 = arith.index_cast %add3A_169 : i32 to index
      %get3A_171 = tpu.vector_load %arg4[%get3A_170] {strides = array<i32>} : memref<32768xf32, #tpu.memory_space<vmem>>, vector<16xf32>,
      %min3A_172 = arith.minimumf %max3A_117, %get3A_171 : vector<16xf32>
      %max3A_173 = arith.maximumf %max3A_117, %get3A_171 : vector<16xf32>
      %max3A_174 = arith.maximumf %max3A_118, %min3A_172 : vector<16xf32>
      %add3A_175 = arith.constant 160 : i32
      %add3A_176 = arith.addi %mul3A_105, %add3A_175 : i32
      %get3A_177 = arith.index_cast %add3A_176 : i32 to index
      %get3A_178 = tpu.vector_load %arg4[%get3A_177] {strides = array<i32>} : memref<32768xf32, #tpu.memory_space<vmem>>, vector<16xf32>,
      %min3A_179 = arith.minimumf %max3A_124, %get3A_178 : vector<16xf32>
      %max3A_180 = arith.maximumf %max3A_124, %get3A_178 : vector<16xf32>
      %max3A_181 = arith.maximumf %max3A_125, %min3A_179 : vector<16xf32>
      %add3A_182 = arith.constant 176 : i32
      %add3A_183 = arith.addi %mul3A_105, %add3A_182 : i32
      %get3A_184 = arith.index_cast %add3A_183 : i32 to index
      %get3A_185 = tpu.vector_load %arg4[%get3A_184] {strides = array<i32>} : memref<32768xf32, #tpu.memory_space<vmem>>, vector<16xf32>,
      %min3A_186 = arith.minimumf %max3A_131, %get3A_185 : vector<16xf32>
      %max3A_187 = arith.maximumf %max3A_131, %get3A_185 : vector<16xf32>
      %max3A_188 = arith.maximumf %max3A_132, %min3A_186 : vector<16xf32>
      %add3A_189 = arith.constant 192 : i32
      %add3A_190 = arith.addi %mul3A_105, %add3A_189 : i32
      %get3A_191 = arith.index_cast %add3A_190 : i32 to index
      %get3A_192 = tpu.vector_load %arg4[%get3A_191] {strides = array<i32>} : memref<32768xf32, #tpu.memory_space<vmem>>, vector<16xf32>,
      %min3A_193 = arith.minimumf %max3A_138, %get3A_192 : vector<16xf32>
      %max3A_194 = arith.maximumf %max3A_138, %get3A_192 : vector<16xf32>
      %max3A_195 = arith.maximumf %max3A_139, %min3A_193 : vector<16xf32>
      %add3A_196 = arith.constant 208 : i32
      %add3A_197 = arith.addi %mul3A_105, %add3A_196 : i32
      %get3A_198 = arith.index_cast %add3A_197 : i32 to index
      %get3A_199 = tpu.vector_load %arg4[%get3A_198] {strides = array<i32>} : memref<32768xf32, #tpu.memory_space<vmem>>, vector<16xf32>,
      %min3A_200 = arith.minimumf %max3A_145, %get3A_199 : vector<16xf32>
      %max3A_201 = arith.maximumf %max3A_145, %get3A_199 : vector<16xf32>
      %max3A_202 = arith.maximumf %max3A_146, %min3A_200 : vector<16xf32>
      %add3A_203 = arith.constant 224 : i32
      %add3A_204 = arith.addi %mul3A_105, %add3A_203 : i32
      %get3A_205 = arith.index_cast %add3A_204 : i32 to index
      %get3A_206 = tpu.vector_load %arg4[%get3A_205] {strides = array<i32>} : memref<32768xf32, #tpu.memory_space<vmem>>, vector<16xf32>,
      %min3A_207 = arith.minimumf %max3A_152, %get3A_206 : vector<16xf32>
      %max3A_208 = arith.maximumf %max3A_152, %get3A_206 : vector<16xf32>
      %max3A_209 = arith.maximumf %max3A_153, %min3A_207 : vector<16xf32>
      %add3A_210 = arith.constant 240 : i32
      %add3A_211 = arith.addi %mul3A_105, %add3A_210 : i32
      %get3A_212 = arith.index_cast %add3A_211 : i32 to index
      %get3A_213 = tpu.vector_load %arg4[%get3A_212] {strides = array<i32>} : memref<32768xf32, #tpu.memory_space<vmem>>, vector<16xf32>,
      %min3A_214 = arith.minimumf %max3A_159, %get3A_213 : vector<16xf32>
      %max3A_215 = arith.maximumf %max3A_159, %get3A_213 : vector<16xf32>
      %max3A_216 = arith.maximumf %max3A_160, %min3A_214 : vector<16xf32>
      %add3A_217 = arith.constant 256 : i32
      %add3A_218 = arith.addi %mul3A_105, %add3A_217 : i32
      %get3A_219 = arith.index_cast %add3A_218 : i32 to index
      %get3A_220 = tpu.vector_load %arg4[%get3A_219] {strides = array<i32>} : memref<32768xf32, #tpu.memory_space<vmem>>, vector<16xf32>,
      %min3A_221 = arith.minimumf %max3A_166, %get3A_220 : vector<16xf32>
      %max3A_222 = arith.maximumf %max3A_166, %get3A_220 : vector<16xf32>
      %max3A_223 = arith.maximumf %max3A_167, %min3A_221 : vector<16xf32>
      %add3A_224 = arith.constant 272 : i32
      %add3A_225 = arith.addi %mul3A_105, %add3A_224 : i32
      %get3A_226 = arith.index_cast %add3A_225 : i32 to index
      %get3A_227 = tpu.vector_load %arg4[%get3A_226] {strides = array<i32>} : memref<32768xf32, #tpu.memory_space<vmem>>, vector<16xf32>,
      %min3A_228 = arith.minimumf %max3A_173, %get3A_227 : vector<16xf32>
      %max3A_229 = arith.maximumf %max3A_173, %get3A_227 : vector<16xf32>
      %max3A_230 = arith.maximumf %max3A_174, %min3A_228 : vector<16xf32>
      %add3A_231 = arith.constant 288 : i32
      %add3A_232 = arith.addi %mul3A_105, %add3A_231 : i32
      %get3A_233 = arith.index_cast %add3A_232 : i32 to index
      %get3A_234 = tpu.vector_load %arg4[%get3A_233] {strides = array<i32>} : memref<32768xf32, #tpu.memory_space<vmem>>, vector<16xf32>,
      %min3A_235 = arith.minimumf %max3A_180, %get3A_234 : vector<16xf32>
      %max3A_236 = arith.maximumf %max3A_180, %get3A_234 : vector<16xf32>
      %max3A_237 = arith.maximumf %max3A_181, %min3A_235 : vector<16xf32>
      %add3A_238 = arith.constant 304 : i32
      %add3A_239 = arith.addi %mul3A_105, %add3A_238 : i32
      %get3A_240 = arith.index_cast %add3A_239 : i32 to index
      %get3A_241 = tpu.vector_load %arg4[%get3A_240] {strides = array<i32>} : memref<32768xf32, #tpu.memory_space<vmem>>, vector<16xf32>,
      %min3A_242 = arith.minimumf %max3A_187, %get3A_241 : vector<16xf32>
      %max3A_243 = arith.maximumf %max3A_187, %get3A_241 : vector<16xf32>
      %max3A_244 = arith.maximumf %max3A_188, %min3A_242 : vector<16xf32>
      %add3A_245 = arith.constant 320 : i32
      %add3A_246 = arith.addi %mul3A_105, %add3A_245 : i32
      %get3A_247 = arith.index_cast %add3A_246 : i32 to index
      %get3A_248 = tpu.vector_load %arg4[%get3A_247] {strides = array<i32>} : memref<32768xf32, #tpu.memory_space<vmem>>, vector<16xf32>,
      %min3A_249 = arith.minimumf %max3A_194, %get3A_248 : vector<16xf32>
      %max3A_250 = arith.maximumf %max3A_194, %get3A_248 : vector<16xf32>
      %max3A_251 = arith.maximumf %max3A_195, %min3A_249 : vector<16xf32>
      %add3A_252 = arith.constant 336 : i32
      %add3A_253 = arith.addi %mul3A_105, %add3A_252 : i32
      %get3A_254 = arith.index_cast %add3A_253 : i32 to index
      %get3A_255 = tpu.vector_load %arg4[%get3A_254] {strides = array<i32>} : memref<32768xf32, #tpu.memory_space<vmem>>, vector<16xf32>,
      %min3A_256 = arith.minimumf %max3A_201, %get3A_255 : vector<16xf32>
      %max3A_257 = arith.maximumf %max3A_201, %get3A_255 : vector<16xf32>
      %max3A_258 = arith.maximumf %max3A_202, %min3A_256 : vector<16xf32>
      %add3A_259 = arith.constant 352 : i32
      %add3A_260 = arith.addi %mul3A_105, %add3A_259 : i32
      %get3A_261 = arith.index_cast %add3A_260 : i32 to index
      %get3A_262 = tpu.vector_load %arg4[%get3A_261] {strides = array<i32>} : memref<32768xf32, #tpu.memory_space<vmem>>, vector<16xf32>,
      %min3A_263 = arith.minimumf %max3A_208, %get3A_262 : vector<16xf32>
      %max3A_264 = arith.maximumf %max3A_208, %get3A_262 : vector<16xf32>
      %max3A_265 = arith.maximumf %max3A_209, %min3A_263 : vector<16xf32>
      %add3A_266 = arith.constant 368 : i32
      %add3A_267 = arith.addi %mul3A_105, %add3A_266 : i32
      %get3A_268 = arith.index_cast %add3A_267 : i32 to index
      %get3A_269 = tpu.vector_load %arg4[%get3A_268] {strides = array<i32>} : memref<32768xf32, #tpu.memory_space<vmem>>, vector<16xf32>,
      %min3A_270 = arith.minimumf %max3A_215, %get3A_269 : vector<16xf32>
      %max3A_271 = arith.maximumf %max3A_215, %get3A_269 : vector<16xf32>
      %max3A_272 = arith.maximumf %max3A_216, %min3A_270 : vector<16xf32>
      %add3A_273 = arith.constant 384 : i32
      %add3A_274 = arith.addi %mul3A_105, %add3A_273 : i32
      %get3A_275 = arith.index_cast %add3A_274 : i32 to index
      %get3A_276 = tpu.vector_load %arg4[%get3A_275] {strides = array<i32>} : memref<32768xf32, #tpu.memory_space<vmem>>, vector<16xf32>,
      %min3A_277 = arith.minimumf %max3A_222, %get3A_276 : vector<16xf32>
      %max3A_278 = arith.maximumf %max3A_222, %get3A_276 : vector<16xf32>
      %max3A_279 = arith.maximumf %max3A_223, %min3A_277 : vector<16xf32>
      %add3A_280 = arith.constant 400 : i32
      %add3A_281 = arith.addi %mul3A_105, %add3A_280 : i32
      %get3A_282 = arith.index_cast %add3A_281 : i32 to index
      %get3A_283 = tpu.vector_load %arg4[%get3A_282] {strides = array<i32>} : memref<32768xf32, #tpu.memory_space<vmem>>, vector<16xf32>,
      %min3A_284 = arith.minimumf %max3A_229, %get3A_283 : vector<16xf32>
      %max3A_285 = arith.maximumf %max3A_229, %get3A_283 : vector<16xf32>
      %max3A_286 = arith.maximumf %max3A_230, %min3A_284 : vector<16xf32>
      %add3A_287 = arith.constant 416 : i32
      %add3A_288 = arith.addi %mul3A_105, %add3A_287 : i32
      %get3A_289 = arith.index_cast %add3A_288 : i32 to index
      %get3A_290 = tpu.vector_load %arg4[%get3A_289] {strides = array<i32>} : memref<32768xf32, #tpu.memory_space<vmem>>, vector<16xf32>,
      %min3A_291 = arith.minimumf %max3A_236, %get3A_290 : vector<16xf32>
      %max3A_292 = arith.maximumf %max3A_236, %get3A_290 : vector<16xf32>
      %max3A_293 = arith.maximumf %max3A_237, %min3A_291 : vector<16xf32>
      %add3A_294 = arith.constant 432 : i32
      %add3A_295 = arith.addi %mul3A_105, %add3A_294 : i32
      %get3A_296 = arith.index_cast %add3A_295 : i32 to index
      %get3A_297 = tpu.vector_load %arg4[%get3A_296] {strides = array<i32>} : memref<32768xf32, #tpu.memory_space<vmem>>, vector<16xf32>,
      %min3A_298 = arith.minimumf %max3A_243, %get3A_297 : vector<16xf32>
      %max3A_299 = arith.maximumf %max3A_243, %get3A_297 : vector<16xf32>
      %max3A_300 = arith.maximumf %max3A_244, %min3A_298 : vector<16xf32>
      %add3A_301 = arith.constant 448 : i32
      %add3A_302 = arith.addi %mul3A_105, %add3A_301 : i32
      %get3A_303 = arith.index_cast %add3A_302 : i32 to index
      %get3A_304 = tpu.vector_load %arg4[%get3A_303] {strides = array<i32>} : memref<32768xf32, #tpu.memory_space<vmem>>, vector<16xf32>,
      %min3A_305 = arith.minimumf %max3A_250, %get3A_304 : vector<16xf32>
      %max3A_306 = arith.maximumf %max3A_250, %get3A_304 : vector<16xf32>
      %max3A_307 = arith.maximumf %max3A_251, %min3A_305 : vector<16xf32>
      %add3A_308 = arith.constant 464 : i32
      %add3A_309 = arith.addi %mul3A_105, %add3A_308 : i32
      %get3A_310 = arith.index_cast %add3A_309 : i32 to index
      %get3A_311 = tpu.vector_load %arg4[%get3A_310] {strides = array<i32>} : memref<32768xf32, #tpu.memory_space<vmem>>, vector<16xf32>,
      %min3A_312 = arith.minimumf %max3A_257, %get3A_311 : vector<16xf32>
      %max3A_313 = arith.maximumf %max3A_257, %get3A_311 : vector<16xf32>
      %max3A_314 = arith.maximumf %max3A_258, %min3A_312 : vector<16xf32>
      %add3A_315 = arith.constant 480 : i32
      %add3A_316 = arith.addi %mul3A_105, %add3A_315 : i32
      %get3A_317 = arith.index_cast %add3A_316 : i32 to index
      %get3A_318 = tpu.vector_load %arg4[%get3A_317] {strides = array<i32>} : memref<32768xf32, #tpu.memory_space<vmem>>, vector<16xf32>,
      %min3A_319 = arith.minimumf %max3A_264, %get3A_318 : vector<16xf32>
      %max3A_320 = arith.maximumf %max3A_264, %get3A_318 : vector<16xf32>
      %max3A_321 = arith.maximumf %max3A_265, %min3A_319 : vector<16xf32>
      %add3A_322 = arith.constant 496 : i32
      %add3A_323 = arith.addi %mul3A_105, %add3A_322 : i32
      %get3A_324 = arith.index_cast %add3A_323 : i32 to index
      %get3A_325 = tpu.vector_load %arg4[%get3A_324] {strides = array<i32>} : memref<32768xf32, #tpu.memory_space<vmem>>, vector<16xf32>,
      %min3A_326 = arith.minimumf %max3A_271, %get3A_325 : vector<16xf32>
      %max3A_327 = arith.maximumf %max3A_271, %get3A_325 : vector<16xf32>
      %max3A_328 = arith.maximumf %max3A_272, %min3A_326 : vector<16xf32>
      scf.yield %max3A_278, %max3A_279, %max3A_285, %max3A_286, %max3A_292, %max3A_293, %max3A_299, %max3A_300, %max3A_306, %max3A_307, %max3A_313, %max3A_314, %max3A_320, %max3A_321, %max3A_327, %max3A_328 : vector<16xf32>, vector<16xf32>, vector<16xf32>, vector<16xf32>, vector<16xf32>, vector<16xf32>, vector<16xf32>, vector<16xf32>, vector<16xf32>, vector<16xf32>, vector<16xf32>, vector<16xf32>, vector<16xf32>, vector<16xf32>, vector<16xf32>, vector<16xf32>
    }
    %scan3A_44 = arith.constant 64 : i32
    %max3A = arith.maximumf %scan3A_43#0, %scan3A_43#2 : vector<16xf32>
    %min3A = arith.minimumf %scan3A_43#0, %scan3A_43#2 : vector<16xf32>
    %max3A_45 = arith.maximumf %scan3A_43#1, %scan3A_43#3 : vector<16xf32>
    %max3A_46 = arith.maximumf %max3A_45, %min3A : vector<16xf32>
    %max3A_47 = arith.maximumf %scan3A_43#4, %scan3A_43#6 : vector<16xf32>
    %min3A_48 = arith.minimumf %scan3A_43#4, %scan3A_43#6 : vector<16xf32>
    %max3A_49 = arith.maximumf %scan3A_43#5, %scan3A_43#7 : vector<16xf32>
    %max3A_50 = arith.maximumf %max3A_49, %min3A_48 : vector<16xf32>
    %max3A_51 = arith.maximumf %scan3A_43#8, %scan3A_43#10 : vector<16xf32>
    %min3A_52 = arith.minimumf %scan3A_43#8, %scan3A_43#10 : vector<16xf32>
    %max3A_53 = arith.maximumf %scan3A_43#9, %scan3A_43#11 : vector<16xf32>
    %max3A_54 = arith.maximumf %max3A_53, %min3A_52 : vector<16xf32>
    %max3A_55 = arith.maximumf %scan3A_43#12, %scan3A_43#14 : vector<16xf32>
    %min3A_56 = arith.minimumf %scan3A_43#12, %scan3A_43#14 : vector<16xf32>
    %max3A_57 = arith.maximumf %scan3A_43#13, %scan3A_43#15 : vector<16xf32>
    %max3A_58 = arith.maximumf %max3A_57, %min3A_56 : vector<16xf32>
    %max3A_59 = arith.maximumf %max3A, %max3A_47 : vector<16xf32>
    %min3A_60 = arith.minimumf %max3A, %max3A_47 : vector<16xf32>
    %max3A_61 = arith.maximumf %max3A_46, %max3A_50 : vector<16xf32>
    %max3A_62 = arith.maximumf %max3A_61, %min3A_60 : vector<16xf32>
    %max3A_63 = arith.maximumf %max3A_51, %max3A_55 : vector<16xf32>
    %min3A_64 = arith.minimumf %max3A_51, %max3A_55 : vector<16xf32>
    %max3A_65 = arith.maximumf %max3A_54, %max3A_58 : vector<16xf32>
    %max3A_66 = arith.maximumf %max3A_65, %min3A_64 : vector<16xf32>
    %max3A_67 = arith.maximumf %max3A_59, %max3A_63 : vector<16xf32>
    %min3A_68 = arith.minimumf %max3A_59, %max3A_63 : vector<16xf32>
    %max3A_69 = arith.maximumf %max3A_62, %max3A_66 : vector<16xf32>
    %max3A_70 = arith.maximumf %max3A_69, %min3A_68 : vector<16xf32>
    %reduce_max3A = arith.constant true
    %reduce_max3A_71 = vector.broadcast %reduce_max3A : i1 to vector<16xi1>
    %reduce_max3A_72 = tpu.scan <max>, %max3A_67 masked %reduce_max3A_71 : vector<16xf32>, vector<16xi1> -> vector<16xf32>
    %reduce_max3A_73 = vector.extract %reduce_max3A_72[15] : f32 from vector<16xf32>
    %eq3A = vector.broadcast %reduce_max3A_73 : f32 to vector<16xf32>
    %eq3A_74 = arith.cmpf oeq, %max3A_67, %eq3A : vector<16xf32>
    %convert_element_type3A = arith.extui %eq3A_74 : vector<16xi1> to vector<16xi32>
    %cumsum3A = arith.constant true
    %cumsum3A_75 = vector.broadcast %cumsum3A : i1 to vector<16xi1>
    %cumsum3A_76 = tpu.scan <sum>, %convert_element_type3A masked %cumsum3A_75 : vector<16xi32>, vector<16xi1> -> vector<16xi32>
    %eq3A_77 = arith.constant 1 : i32
    %eq3A_78 = vector.broadcast %eq3A_77 : i32 to vector<16xi32>
    %eq3A_79 = arith.cmpi eq, %cumsum3A_76, %eq3A_78 : vector<16xi32>
    %and3A = arith.andi %eq3A_74, %eq3A_79 : vector<16xi1>
    %select_n3A = arith.select %and3A, %max3A_70, %max3A_67 : vector<16xi1>, vector<16xf32>
    %reduce_max3A_80 = arith.constant true
    %reduce_max3A_81 = vector.broadcast %reduce_max3A_80 : i1 to vector<16xi1>
    %reduce_max3A_82 = tpu.scan <max>, %select_n3A masked %reduce_max3A_81 : vector<16xf32>, vector<16xi1> -> vector<16xf32>
    %reduce_max3A_83 = vector.extract %reduce_max3A_82[15] : f32 from vector<16xf32>
    %sub3A = arith.subf %reduce_max3A_73, %reduce_max3A_83 : f32
    %add3A_84 = vector.broadcast %sub3A : f32 to vector<16xf32>
    %add3A_85 = arith.addf %scan3A_32, %add3A_84 : vector<16xf32>
    %swap3A = arith.constant 0 : index
    %swap3A_86 = tpu.vector_load %arg7[%swap3A] {strides = array<i32>} : memref<16xf32, #tpu.memory_space<vmem>>, vector<16xf32>,
    tpu.vector_store %arg7[%swap3A], %add3A_85 {strides = array<i32>} : memref<16xf32, #tpu.memory_space<vmem>>, vector<16xf32>,
    "tpu.region"() ({
      %run_scoped3A = tpu.sem_alloc : memref<!tpu.dma_semaphore, #tpu.memory_space<semaphore_mem>>
      %dma_start3A_87 = arith.constant 0 : i32
      %dma_start3A_88 = tpu.memref_slice %arg3[%add3A, %dma_start3A_87] : memref<32x16xf32, #tpu.memory_space<hbm>> -> memref<1x16xf32, #tpu.memory_space<hbm>>
      %dma_start3A_89 = tpu.memref_squeeze %dma_start3A_88 : memref<1x16xf32, #tpu.memory_space<hbm>> -> memref<16xf32, #tpu.memory_space<hbm>>
      %dma_start3A_90 = arith.constant 0 : i32
      %dma_start3A_91 = tpu.memref_slice %arg3[%add3A, %dma_start3A_90] : memref<32x16xf32, #tpu.memory_space<hbm>> -> memref<1x16xf32, #tpu.memory_space<hbm>>
      %dma_start3A_92 = tpu.memref_squeeze %dma_start3A_91 : memref<1x16xf32, #tpu.memory_space<hbm>> -> memref<16xf32, #tpu.memory_space<hbm>>
      tpu.enqueue_dma source(%arg7 : memref<16xf32, #tpu.memory_space<vmem>>) target(%dma_start3A_92 : memref<16xf32, #tpu.memory_space<hbm>>) target_semaphore(%run_scoped3A : memref<!tpu.dma_semaphore, #tpu.memory_space<semaphore_mem>>)
      %dma_wait3A_93 = arith.constant 0 : i32
      %dma_wait3A_94 = tpu.memref_slice %arg3[%add3A, %dma_wait3A_93] : memref<32x16xf32, #tpu.memory_space<hbm>> -> memref<1x16xf32, #tpu.memory_space<hbm>>
      %dma_wait3A_95 = tpu.memref_squeeze %dma_wait3A_94 : memref<1x16xf32, #tpu.memory_space<hbm>> -> memref<16xf32, #tpu.memory_space<hbm>>
      %dma_wait3A_96 = arith.constant 0 : i32
      %dma_wait3A_97 = tpu.memref_slice %arg3[%add3A, %dma_wait3A_96] : memref<32x16xf32, #tpu.memory_space<hbm>> -> memref<1x16xf32, #tpu.memory_space<hbm>>
      %dma_wait3A_98 = tpu.memref_squeeze %dma_wait3A_97 : memref<1x16xf32, #tpu.memory_space<hbm>> -> memref<16xf32, #tpu.memory_space<hbm>>
      tpu.wait_dma2 semaphore(%run_scoped3A : memref<!tpu.dma_semaphore, #tpu.memory_space<semaphore_mem>>) src(%arg7 : memref<16xf32, #tpu.memory_space<vmem>>) dst(%dma_wait3A_98 : memref<16xf32, #tpu.memory_space<hbm>>)
      tpu.yield
    }) : () -> ()
    return
  }
}

module attributes {stable_mosaic.version = 14 : i64} {
  func.func @tc_body(%arg0: i32, %arg1: i32, %arg2: memref<1x64x32768xf32, #tpu.memory_space<vmem>>, %arg3: memref<1x1x128xf32, #tpu.memory_space<vmem>>) attributes {dimension_semantics = [#tpu.dimension_semantics<arbitrary>, #tpu.dimension_semantics<arbitrary>], iteration_bounds = array<i64: 32, 16>, scalar_prefetch = 0 : i64, scratch_operands = 0 : i64, tpu.core_type = #tpu.core_type<tc>, window_params = [{transform_indices = @transform_0, window_bounds = array<i64: 1, 64, 32768>}, {transform_indices = @transform_1, window_bounds = array<i64: 1, 1, 128>}]} {
    %get3A = arith.constant 0 : index
    %get3A_0 = arith.constant 0 : index
    %get3A_1 = arith.constant 0 : index
    %get3A_2 = vector.load %arg2[%get3A, %get3A_0, %get3A_1] : memref<1x64x32768xf32, #tpu.memory_space<vmem>>, vector<1x64x32768xf32>
    %reduce_max3A = arith.constant dense<0xFF800000> : vector<1x64xf32>
    %reduce_max3A_3 = vector.multi_reduction <maximumf>, %get3A_2, %reduce_max3A [2] : vector<1x64x32768xf32> to vector<1x64xf32>
    %broadcast_in_dim3A = vector.shape_cast %reduce_max3A_3 : vector<1x64xf32> to vector<1x64x1xf32>
    %eq3A = vector.broadcast %broadcast_in_dim3A : vector<1x64x1xf32> to vector<1x64x32768xf32>
    %eq3A_4 = arith.cmpf oeq, %get3A_2, %eq3A : vector<1x64x32768xf32>
    %convert_element_type3A = arith.extui %eq3A_4 : vector<1x64x32768xi1> to vector<1x64x32768xi32>
    %convert_element_type3A_5 = arith.sitofp %convert_element_type3A : vector<1x64x32768xi32> to vector<1x64x32768xf32>
    %reduce_sum3A = arith.constant dense<0.000000e+00> : vector<1x64xf32>
    %reduce_sum3A_6 = vector.multi_reduction <add>, %convert_element_type3A_5, %reduce_sum3A [2] : vector<1x64x32768xf32> to vector<1x64xf32>
    %jit3A = arith.constant -3.000000e+38 : f32
    %broadcast_in_dim3A_7 = vector.broadcast %jit3A : f32 to vector<1x64x32768xf32>
    %select_n3A = arith.select %eq3A_4, %broadcast_in_dim3A_7, %get3A_2 : vector<1x64x32768xi1>, vector<1x64x32768xf32>
    %reduce_max3A_8 = arith.constant dense<0xFF800000> : vector<1x64xf32>
    %reduce_max3A_9 = vector.multi_reduction <maximumf>, %select_n3A, %reduce_max3A_8 [2] : vector<1x64x32768xf32> to vector<1x64xf32>
    %gt3A = arith.constant 1.500000e+00 : f32
    %gt3A_10 = vector.broadcast %gt3A : f32 to vector<1x64xf32>
    %gt3A_11 = arith.cmpf ogt, %reduce_sum3A_6, %gt3A_10 : vector<1x64xf32>
    %select_n3A_12 = arith.select %gt3A_11, %reduce_max3A_3, %reduce_max3A_9 : vector<1x64xi1>, vector<1x64xf32>
    %sub3A = arith.subf %reduce_max3A_3, %select_n3A_12 : vector<1x64xf32>
    %reduce_sum3A_13 = vector.shape_cast %sub3A : vector<1x64xf32> to vector<1x1x64xf32>
    %reduce_sum3A_14 = arith.constant dense<0.000000e+00> : vector<1xf32>
    %reduce_sum3A_15 = vector.multi_reduction <add>, %reduce_sum3A_13, %reduce_sum3A_14 [1, 2] : vector<1x1x64xf32> to vector<1xf32>
    %reduce_sum3A_16 = vector.shape_cast %reduce_sum3A_15 : vector<1xf32> to vector<1x1x1xf32>
    %reduce_sum3A_17 = vector.extract %reduce_sum3A_16[0, 0, 0] : f32 from vector<1x1x1xf32>
    %eq3A_18 = arith.constant 0 : i32
    %eq3A_19 = arith.cmpi eq, %arg1, %eq3A_18 : i32
    %convert_element_type3A_20 = arith.extui %eq3A_19 : i1 to i32
    %cond3A = arith.constant 0 : i32
    %cond3A_21 = arith.cmpi ne, %convert_element_type3A_20, %cond3A : i32
    scf.if %cond3A_21 {
      %broadcast_in_dim3A_30 = arith.constant 0.000000e+00 : f32
      %broadcast_in_dim3A_31 = vector.broadcast %broadcast_in_dim3A_30 : f32 to vector<1x1x128xf32>
      %swap3A_32 = arith.constant 0 : index
      %swap3A_33 = arith.constant 0 : index
      %swap3A_34 = arith.constant 0 : index
      %swap3A_35 = vector.load %arg3[%swap3A_32, %swap3A_33, %swap3A_34] : memref<1x1x128xf32, #tpu.memory_space<vmem>>, vector<1x1x128xf32>
      tpu.vector_store %arg3[%swap3A_32, %swap3A_33, %swap3A_34], %broadcast_in_dim3A_31 {strides = array<i32>} : memref<1x1x128xf32, #tpu.memory_space<vmem>>, vector<1x1x128xf32>,
    } else {
    }
    %get3A_22 = arith.constant 0 : index
    %get3A_23 = arith.constant 0 : index
    %get3A_24 = arith.constant 0 : index
    %get3A_25 = vector.load %arg3[%get3A_22, %get3A_23, %get3A_24] : memref<1x1x128xf32, #tpu.memory_space<vmem>>, vector<1x1x128xf32>
    %broadcast_in_dim3A_26 = vector.broadcast %reduce_sum3A_17 : f32 to vector<1x1x128xf32>
    %add3A = arith.addf %get3A_25, %broadcast_in_dim3A_26 : vector<1x1x128xf32>
    %swap3A = arith.constant 0 : index
    %swap3A_27 = arith.constant 0 : index
    %swap3A_28 = arith.constant 0 : index
    %swap3A_29 = vector.load %arg3[%swap3A, %swap3A_27, %swap3A_28] : memref<1x1x128xf32, #tpu.memory_space<vmem>>, vector<1x1x128xf32>
    tpu.vector_store %arg3[%swap3A, %swap3A_27, %swap3A_28], %add3A {strides = array<i32>} : memref<1x1x128xf32, #tpu.memory_space<vmem>>, vector<1x1x128xf32>,
    return
  }
  func.func @transform_0(%arg0: i32, %arg1: i32) -> (i32, i32, i32) {
    %add3A = arith.constant 16 : i32
    %add3A_0 = arith.addi %add3A, %arg1 : i32
    %c0_i32 = arith.constant 0 : i32
    %c0_i32_1 = arith.constant 0 : i32
    return %arg0, %add3A_0, %c0_i32 : i32, i32, i32
  }
  func.func @transform_1(%arg0: i32, %arg1: i32) -> (i32, i32, i32) {
    %c0_i32 = arith.constant 0 : i32
    %c0_i32_0 = arith.constant 0 : i32
    %c0_i32_1 = arith.constant 0 : i32
    return %arg0, %c0_i32, %c0_i32_0 : i32, i32, i32
  }
}

</mosaic_0001>

<sc_bundles>
// kernel: kernel.4.cloned.1.call-start
scs
__scs_entry_jumppad:
0x0: {  	(pc) =	sbr.rel $0x88, $3  }
0x1: {  	(tag) =	ssettag $0x0;
	lr =	simm.s32 $0x1  }
0x2: {  	[smem:$0x3FA0] =	sst lr;
	_ =	strace $0xD0000000  }
0x3: {  	_ = 	snop  }
0x4: {  	_ = 	snop  }
0x5: {  	_ = 	snop  }
0x6: {  	_ = 	snop  }
0x7: {  	_ = 	snop  }
__scs_overlays_trampoline_lowered:
0x8: {  	[smem:$0x3FAF] =	sst s0  }
0x9: {  	[smem:$0x3FB0] =	sst s1  }
0xa: {  	[smem:$0x3FB1] =	sst s2  }
0xb: {  	[smem:$0x3FB2] =	sst s3  }
0xc: {  	[smem:$0x3FB3] =	sst s4  }
0xd: {  	[smem:$0x3FB4] =	sst s5  }
0xe: {  	[smem:$0x3FB5] =	sst s6  }
0xf: {  	[smem:$0x3FB6] =	sst s7  }
0x10: {  	[smem:$0x3FB7] =	sst s8  }
0x11: {  	[smem:$0x3FB8] =	sst s9;
	s0 =	simm.s32 @!p0 $0x0  }
0x12: {  	s1 =	sld [smem:$0x3F9E];
	s0 =	simm.s32 @p0 $0x1  }
0x13: {  	[smem:$0x3FB9] =	sst s0;
	s0 =	simm.s32 @!p1 $0x0  }
0x14: {  	s2 =	sld [smem:$0x3F9D];
	s0 =	simm.s32 @p1 $0x1  }
0x15: {  	[smem:$0x3FBA] =	sst s0;
	s0 =	simm.s32 @!p2 $0x0  }
0x16: {  	s3 =	sld [smem:$0x3FDB];
	s0 =	simm.s32 @p2 $0x1  }
0x17: {  	s4 =	simm.s32 $0x1BF5;
	[smem:$0x3FBC] =	sst s0  }
0x18: {  	s0 =	sld [smem:$0x3F9F];
	_ =	swait.ge [sflag:s4], $0x0  }
0x19: {  	s7 =	sld [smem:$0x3FA0]  }
0x1a: {  	s8 =	sadd.s32 $0xFFFFE003, lr  }
0x1b: {  	s9 =	sadd.s32 $0xFFFFFEF7, lr;
	s5 =	simm.s32 $0xFFFFFFFF;
	p2 =	slt.u32 s8, $0xFFFFF086  }
0x1c: {  	p1 =	slt.u32 s9, $0xF7A;
	s5 =	simm.s32 @!p2 $0x0  }
0x1d: {  	s5 =	simm.s32 @p1 $0x1;
	p0 =	seq.s32 s7, s2  }
0x1e: {  	s7 =	smul.u32 @!p0 $0xF7A, s2;
	p2 =	seq.s32 @!p0 s5, $0x0  }
0x1f: {  	s9 =	smul.u32 $0xF7A, s1;
	s8 =	simm.s32 @!p0 $0x1BF5;
	p2 =	por !p2, p0  }
0x20: {  	[sflag:s8] =	ssyncset.s32 @!p0 $0xFFFFF086;
	s6 =	sadd.s32 @!p0 s3, s7;
	s7 =	simm.s32 @!p0 $0x108  }
0x21: {  	s3 =	sadd.s32 s3, s9;
	s6 =	sadd.s32 @!p0 $0x88, s6;
	s7 =	simm.s32 @p2 $0x1082  }
0x22: {  	[simem:s7], [sflag:s8] =	dma.local @!p0 [hbm:s6], $0xF7A  }
0x23: {  	s9 =	sor.u32 $0xD0000000, s2;
	s6 =	simm.s32 $0x108;
	_ =	swait.ge @!p0 [sflag:s8], $0x0  }
0x24: {  	s3 =	sadd.s32 $0x88, s3;
	s6 =	simm.s32 @!p1 $0x1082;
	[sflag:s4] =	ssyncset.s32 $0xFFFFF086  }
0x25: {  	[simem:s6], [sflag:s4] =	dma.local [hbm:s3], $0xF7A  }
0x26: {  	[smem:$0x3FA0] =	sst s1;
	(tag) =	ssettag s2;
	_ =	strace s9  }
0x27: {  	s1 =	sld [smem:$0x3FB0]  }
0x28: {  	s2 =	sld [smem:$0x3FB1]  }
0x29: {  	s4 =	sld [smem:$0x3FB3]  }
0x2a: {  	p0 =	seq.s32 s5, $0x0;
	s5 =	sld [smem:$0x3FB4]  }
0x2b: {  	s6 =	sld [smem:$0x3FB5]  }
0x2c: {  	s7 =	sld [smem:$0x3FB6]  }
0x2d: {  	s3 =	simm.s32 $0x108;
	s8 =	sld [smem:$0x3FB7]  }
0x2e: {  	s3 =	simm.s32 @!p0 $0x1082;
	s9 =	sld [smem:$0x3FB8]  }
0x2f: {  	lr =	sadd.s32 s0, s3;
	s0 =	sld [smem:$0x3FAF]  }
0x30: {  	s3 =	sld [smem:$0x3FB2]  }
0x31: {  	[smem:$0x3FBB] =	sst s10  }
0x32: {  	s10 =	sld [smem:$0x3FB9];
	_ =	sdelay $0x3  }
0x33: {  	p0 =	seq.s32 s10, $0x1;
	s10 =	sld [smem:$0x3FBB];
	_ =	sdelay $0x3  }
0x34: {  	[smem:$0x3FBB] =	sst s10  }
0x35: {  	s10 =	sld [smem:$0x3FBA];
	_ =	sdelay $0x3  }
0x36: {  	p1 =	seq.s32 s10, $0x1;
	s10 =	sld [smem:$0x3FBB];
	_ =	sdelay $0x3  }
0x37: {  	[smem:$0x3FBB] =	sst s10  }
0x38: {  	s10 =	sld [smem:$0x3FBC]  }
0x39: {  	_ = 	snop;
	(pc) =	sbr.ind lr, $3  }
0x3a: {  	_ = 	snop  }
0x3b: {  	_ = 	snop  }
0x3c: {  	p2 =	seq.s32 s10, $0x1;
	s10 =	sld [smem:$0x3FBB]  }
0x3d: {  	_ =	shalt  }
0x3e: {  	_ =	shalt  }
0x3f: {  	_ =	shalt  }
0x40: {  	_ =	shalt  }
0x41: {  	_ =	shalt  }
0x42: {  	_ =	shalt  }
0x43: {  	_ =	shalt  }
0x44: {  	_ =	shalt  }
0x45: {  	_ =	shalt  }
0x46: {  	_ =	shalt  }
0x47: {  	_ =	shalt  }
0x48: {  	_ =	shalt  }
0x49: {  	_ =	shalt  }
0x4a: {  	_ =	shalt  }
0x4b: {  	_ =	shalt  }
0x4c: {  	_ =	shalt  }
0x4d: {  	_ =	shalt  }
0x4e: {  	_ =	shalt  }
0x4f: {  	_ =	shalt  }
0x50: {  	_ =	shalt  }
0x51: {  	_ =	shalt  }
0x52: {  	_ =	shalt  }
0x53: {  	_ =	shalt  }
0x54: {  	_ =	shalt  }
0x55: {  	_ =	shalt  }
0x56: {  	_ =	shalt  }
0x57: {  	_ =	shalt  }
0x58: {  	_ =	shalt  }
0x59: {  	_ =	shalt  }
0x5a: {  	_ =	shalt  }
0x5b: {  	_ =	shalt  }
0x5c: {  	_ =	shalt  }
0x5d: {  	_ =	shalt  }
0x5e: {  	_ =	shalt  }
0x5f: {  	_ =	shalt  }
0x60: {  	_ =	shalt  }
0x61: {  	_ =	shalt  }
0x62: {  	_ =	shalt  }
0x63: {  	_ =	shalt  }
0x64: {  	_ =	shalt  }
0x65: {  	_ =	shalt  }
0x66: {  	_ =	shalt  }
0x67: {  	_ =	shalt  }
0x68: {  	_ =	shalt  }
0x69: {  	_ =	shalt  }
0x6a: {  	_ =	shalt  }
0x6b: {  	_ =	shalt  }
0x6c: {  	_ =	shalt  }
0x6d: {  	_ =	shalt  }
0x6e: {  	_ =	shalt  }
0x6f: {  	_ =	shalt  }
0x70: {  	_ =	shalt  }
0x71: {  	_ =	shalt  }
0x72: {  	_ =	shalt  }
0x73: {  	_ =	shalt  }
0x74: {  	_ =	shalt  }
0x75: {  	_ =	shalt  }
0x76: {  	_ =	shalt  }
0x77: {  	_ =	shalt  }
0x78: {  	_ =	shalt  }
0x79: {  	_ =	shalt  }
0x7a: {  	_ =	shalt  }
0x7b: {  	_ =	shalt  }
0x7c: {  	_ =	shalt  }
0x7d: {  	_ =	shalt  }
0x7e: {  	_ =	shalt  }
0x7f: {  	_ =	shalt  }
0x80: {  	_ =	shalt  }
0x81: {  	_ =	shalt  }
0x82: {  	_ =	shalt  }
0x83: {  	_ =	shalt  }
0x84: {  	_ =	shalt  }
0x85: {  	_ =	shalt  }
0x86: {  	_ =	shalt  }
0x87: {  	_ =	shalt  }
.Lfunc_end0:
.L_simem_size_0:
called_computation_lowered:
.L_overlay_start_0:
0x88: {  	s2 =	sld [smem:$0x3FD9]  }
0x89: {  	s3 =	sld [smem:$0x3FFE];
	_ =	sdelay $0x1  }
0x8a: {  	s1 =	srdreg.scid  }
0x8b: {  	s0 =	sand.u32 $0x1, s1  }
0x8c: {  	s17 =	sshll.u32 s0, $0xA;
	s2 =	sadd.s32 s3, s2  }
0x8d: {  	s2 =	sadd.s32 s2, s17  }
0x8e: {  	[smem:$0x3FC7] =	sst s2  }
0x8f: {  	_ = 	snop  }
0x90: {  	s2 =	sld [smem:$0x3FC9];
	(tm) =	ssettm $0x1  }
0x91: {  	s18 =	sld [smem:$0x3FFB];
	_ =	sdelay $0x3  }
0x92: {  	_ =	strace s18  }
0x93: {  	s3 =	sld [smem:$0x3FFC];
	_ =	sdelay $0x3  }
0x94: {  	_ =	strace s3  }
0x95: {  	s3 =	sld [smem:$0x3FFD];
	_ =	sdelay $0x3  }
0x96: {  	_ =	strace s3  }
0x97: {  	_ =	strace $0x8FFFFFFF  }
0x98: {  	s19 =	sld [smem:$0x3FDB];
	_ =	sdelay $0x1  }
0x99: {  	s4 =	simm.s32 $_scs_section_size  }
0x9a: {  	s5 =	simm.s32 $_size__tile_overlayer_lowered;
	s6 =	simm.s32 $_tile_overlayer_lowered  }
0x9b: {  	s22 =	simm.s32 $0x1BFF;
	s21 =	sshll.u32 s6, $0x1;
	s3 =	sadd.s32 s4, s19  }
0x9c: {  	s7 =	simm.s32 $0x0;
	s20 =	sshll.u32 s5, $0x1;
	s5 =	sadd.s32 s21, s3  }
0x9d: {  	[timem:s7], [sflag:s22] =	dma.local [hbm:s5], s20  }
0x9e: {  	_ =	swait.ge [sflag:s22], s20  }
0x9f: {  	s4 =	ssub.s32 $0x0, s20;
	[sflag:s22] =	ssyncset.done $0x0  }
0xa0: {  	[sflag:s22] =	ssyncadd.s32 s4;
	_ =	sdelay $0x1  }
0xa1: {  	s23 =	simm.s32 $0x1B8B  }
0xa2: {  	_ =	swait.ge [sflag:s23], $0x1  }
0xa3: {  	[sflag:s23] =	ssyncset.done $0x0  }
0xa4: {  	s25 =	simm.s32 $0x1B8E;
	s24 =	sld [smem:$0x3FFE];
	[sflag:s23] =	ssyncadd.s32 $0xFFFFFFFF  }
0xa5: {  	s26 =	simm.s32 $execute0_lowered;
	[smem:$0x3FD2] =	sst s25  }
0xa6: {  	s5 =	sshll.u32 s26, $0x1;
	_ =	strace $0x80000046;
	[dreg:$0x1] =	wrdreg $0xFFFFFFFF  }
0xa7: {  	s28 =	simm.s32 $_size_execute0_lowered;
	s3 =	sadd.s32 s3, s5;
	[dreg:$0x0] =	wrdreg $0x0  }
0xa8: {  	s5 =	sshll.u32 s28, $0x1;
	[dreg:$0x2] =	wrdreg s3  }
0xa9: {  	[dreg:$0x3] =	wrdreg s5  }
0xaa: {  	[dreg:$0x4] =	wrdreg $0xC0  }
0xab: {  	_ =	task [dreg:s7], $0x5FFFF  }
0xac: {  	[dreg:$0x1] =	wrdreg $0xFFFFFFFF  }
0xad: {  	[dreg:$0x0] =	wrdreg $0x60  }
0xae: {  	[dreg:$0x2] =	wrdreg s2  }
0xaf: {  	[dreg:$0x3] =	wrdreg s24  }
0xb0: {  	[dreg:$0x4] =	wrdreg $0x9  }
0xb1: {  	_ =	task.clear_ibuf [dreg:s7], $0x5FFFF;
	_ =	strace $0x90000046  }
0xb2: {  	s29 =	simm.s32 $0x9;
	_ =	strace $0x80000048  }
0xb3: {  	_ =	swait.ge [sflag:s29], $0x1  }
0xb4: {  	[sflag:s29] =	ssyncadd.s32 $0xFFFFFFFF  }
0xb5: {  	_ =	strace $0x90000048  }
0xb6: {  	_ =	sfence  }
0xb7: {  	s30 =	sld [smem:$0x0];
	_ =	sdelay $0x2  }
0xb8: {  	s31 =	sshll.u32 s1, $0xD;
	s1 =	sshrl.u32 s1, $0x2  }
0xb9: {  	s3 =	sand.u32 $0x4000, s31;
	s1 =	sadd.s32 s1, s30  }
0xba: {  	s0 =	sor.u32 s3, s0;
	s1 =	sshll.u32 s1, $0x11  }
0xbb: {  	s0 =	sor.u32 s1, s0  }
0xbc: {  	s0 =	sadd.s32 $0x8F2B, s0  }
0xbd: {  	[sflag:s0] =	ssyncadd.remote.s32 $0x1  }
0xbe: {  	_ =	sfence.sel $0xFFFF  }
0xbf: {  	[dreg:$0x0] =	wrdreg $0xFFFFFFFF;
	(pc) =	sbr.abs _section_cstart, $3  }
0xc0: {  	[dreg:$0x1] =	wrdreg $0xFFFFFFFF  }
0xc1: {  	_ =	task.clear_ibuf [dreg:s7], $0x2FFFF;
	_ =	strace $0x9FFFFFFF  }
0xc2: {  	(tm) =	ssettm $0x7FFFFFFF  }
0xc3: {  	_ =	shalt  }
tec
execute0_lowered:
.L_overlay_start_1:
0x0: {  	(tag) =	ssettag $0x1  }
0x1: {  	s2 =	rddreg [dreg:$0x0]  }
0x2: {  	s8 =	rddreg [dreg:$0x1]  }
0x3: {  	s0 =	rddreg [dreg:$0x2]  }
0x4: {  	s4 =	srdreg.scid;
	s1 =	stileid.u32  }
0x5: {  	s3 =	simm.s32 $0x0;
	s11 =	simm.s32 $0x400;
	s12 =	simm.s32 $0x8000  }
0x6: {  	s13 =	simm.s32 $0x10000;
	s14 =	simm.s32 $0x1;
	s15 =	simm.s32 $0x2  }
0x7: {  	s16 =	simm.s32 $0x3;
	s17 =	simm.s32 $0x18000;
	s18 =	simm.s32 $0x4  }
0x8: {  	s19 =	simm.s32 $0x0;
	s4 =	sand.u32 $0x1, s4;
	s5 =	sshll.u32 s1, $0x1  }
0x9: {  	[smem:$0x7FF] =	sst s3;
	s6 =	ssub.s32 $0x2, s4;
	s9 =	sor.u32 s4, s5  }
0xa: {  	_ =	strace $0x80000047;
	s31 =	sshrl.u32 s6, $0x1;
	s5 =	sshll.u32 s9, $0x17  }
0xb: {  	s4 =	sshll.u32 s9, $0xB;
	s9 =	sshll.u32 s9, $0x4;
	s5 =	sadd.s32 s2, s5  }
0xc: {  	s10 =	ssub.s32 s6, s31;
	s8 =	sadd.s32 s8, s9;
	s6 =	sadd.s32 $0x10, s5  }
0xd: {  	v0 =	vimm.s32 $0x0;
	s7 =	sadd.s32 $0x20, s5;
	s9 =	smax.u32 s10, $0x1;
	s10 =	simm.s32 $0x80  }
.LBB2_1:
0xe: {  	[tilespmem:s3], [sflag:$0x1] =	stream.strided.gather [hbm4b:s5+s10], $0x8000, s11, s10, $0x38;
	[tilespmem:$0x18080] =	vst v63  }
0xf: {  	_ = 	snop  }
0x10: {  	[tilespmem:s12], [sflag:$0x2] =	stream.strided.gather [hbm4b:s6+s10], $0x8000, s11, s10, $0x38;
	[tilespmem:$0x18080] =	vst v63  }
0x11: {  	s20 =	simm.s32 $0x0  }
0x12: {  	v1 =	vimm.f32 $0.0e+00;
	[tilespmem:s13], [sflag:$0x3] =	stream.strided.gather [hbm4b:s7+s10], $0x8000, s11, s10, $0x38;
	[tilespmem:$0x18080] =	vst v63  }
.LBB2_2:
0x13: {  	_ =	swait.ge [sflag:s14], $0x8000  }
0x14: {  	[sflag:s14] =	ssyncset.done $0x0  }
0x15: {  	s22 =	simm.s32 $0x0;
	[sflag:s14] =	ssyncadd.s32 $0xFFFF8000  }
0x16: {  	v2 =	vld [tilespmem:s22+$0x170]  }
0x17: {  	v5 =	vld [tilespmem:s22+$0x80]  }
0x18: {  	v3 =	vld [tilespmem:s22+$0x70]  }
0x19: {  	v4 =	vld [tilespmem:s22+$0xF0]  }
0x1a: {  	v6 =	vld [tilespmem:s22+$0x60]  }
0x1b: {  	v7 =	vld [tilespmem:s22+$0x50]  }
0x1c: {  	v8 =	vld [tilespmem:s22+$0x40]  }
0x1d: {  	v10 =	vld [tilespmem:s22+$0x30]  }
0x1e: {  	v11 =	vld [tilespmem:s22+$0x90]  }
0x1f: {  	v9 =	vimm.f32 $-3.000000010e+38;
	v15 =	vld [tilespmem:s22+$0xE0]  }
0x20: {  	v16 =	vld [tilespmem:s22+$0x0];
	v13 =	vmin.f32 v9, v7;
	v7 =	vmax.f32 v9, v7;
	v17 =	vmin.f32 v9, v6  }
0x21: {  	v18 =	vld [tilespmem:s22+$0x1F0];
	v6 =	vmax.f32 v9, v6;
	v12 =	vmin.f32 v9, v3;
	v3 =	vmax.f32 v9, v3  }
0x22: {  	v20 =	vld [tilespmem:s22+$0xD0];
	v14 =	vmin.f32 v9, v10;
	v23 =	vmax.f32 v9, v8;
	v28 =	vmax.f32 v9, v10  }
0x23: {  	v19 =	vld [tilespmem:s22+$0x160];
	v12 =	vmax.f32 v9, v12;
	v25 =	vmax.f32 v9, v14;
	v14 =	vmin.f32 v3, v4  }
0x24: {  	v26 =	vld [tilespmem:s22+$0x1E0];
	v3 =	vmax.f32 v3, v4;
	v4 =	vmin.f32 v9, v8;
	v8 =	vmin.f32 v6, v15  }
0x25: {  	v21 =	vld [tilespmem:s22+$0x150];
	v22 =	vmax.f32 v9, v13;
	v6 =	vmax.f32 v6, v15;
	v12 =	vmax.f32 v12, v14  }
0x26: {  	v29 =	vld [tilespmem:s22+$0x1D0];
	v10 =	vmin.f32 v3, v2;
	v24 =	vmax.f32 v3, v2;
	v2 =	vmin.f32 v9, v16  }
0x27: {  	v14 =	vld [tilespmem:s22+$0x10];
	v30 =	vmax.f32 v9, v4;
	v4 =	vmin.f32 v7, v20;
	v7 =	vmax.f32 v7, v20  }
0x28: {  	v27 =	vld [tilespmem:s22+$0x110];
	v34 =	vmax.f32 v6, v19;
	v19 =	vmin.f32 v6, v19;
	v3 =	vmax.f32 v12, v10  }
0x29: {  	v33 =	vld [tilespmem:s22+$0x1C0];
	v10 =	vmin.f32 v24, v18;
	v12 =	vmax.f32 v9, v2;
	v4 =	vmax.f32 v22, v4  }
0x2a: {  	v2 =	vmax.f32 v3, v10;
	v3 =	vmax.f32 v9, v17;
	v17 =	vmax.f32 v9, v16;
	v16 =	vld [tilespmem:s22+$0xC0]  }
0x2b: {  	v15 =	vld [tilespmem:s22+$0x140];
	v13 =	vmax.f32 v3, v8;
	v20 =	vmin.f32 v17, v5;
	v3 =	vmin.f32 v7, v21  }
0x2c: {  	v8 =	vld [tilespmem:s22+$0xB0];
	v7 =	vmax.f32 v7, v21;
	v32 =	vmax.f32 v4, v3;
	v21 =	vmax.f32 v9, v14  }
0x2d: {  	v10 =	vld [tilespmem:s22+$0x180];
	v3 =	vmax.f32 v34, v26;
	v4 =	vmax.f32 v24, v18;
	v22 =	vmin.f32 v21, v11  }
0x2e: {  	v24 =	vld [tilespmem:s22+$0x20];
	v31 =	vmax.f32 v21, v11;
	v11 =	vmin.f32 v7, v29;
	v7 =	vmax.f32 v7, v29  }
0x2f: {  	v21 =	vld [tilespmem:s22+$0x190];
	v35 =	vmin.f32 v23, v16;
	v23 =	vmax.f32 v23, v16;
	v16 =	vmin.f32 v34, v26  }
0x30: {  	v26 =	vmax.f32 v31, v27;
	v6 =	vmax.f32 v32, v11;
	v30 =	vmax.f32 v30, v35;
	v35 =	vld [tilespmem:s22+$0x130]  }
0x31: {  	v18 =	vld [tilespmem:s22+$0x1B0];
	v11 =	vimm.f32 $-3.000000010e+38;
	v37 =	vmin.f32 v28, v8;
	v38 =	vmin.f32 v23, v15  }
0x32: {  	v34 =	vld [tilespmem:s22+$0xA0];
	v36 =	vmax.f32 v28, v8;
	v28 =	vmax.f32 v17, v5;
	v8 =	vmax.f32 v23, v15  }
0x33: {  	v29 =	vld [tilespmem:s22+$0x100];
	v17 =	vimm.f32 $-3.000000010e+38;
	v15 =	vimm.f32 $-3.000000010e+38;
	v32 =	vmax.f32 v25, v37  }
0x34: {  	s21 =	simm.s32 $0x800;
	v23 =	vmax.f32 v30, v38;
	v25 =	vmin.f32 v8, v33;
	v30 =	vld [tilespmem:s22+$0x120];
	v5 =	vmax.f32 v26, v21  }
.LBB2_3:
0x35: {  	p0 =	sne.s32 s21, $0x1F800;
	v27 =	vmin.f32 v31, v27;
	v31 =	vmin.f32 v36, v35;
	v37 =	vld [tilespmem:s22+$0x1A0];
	s22 =	sshra.s32 s21, $0x2;
	s21 =	sadd.s32 $0x800, s21;
	v33 =	vmax.f32 v8, v33  }
0x36: {  	v39 =	vmin.f32 v9, v24;
	v9 =	vmax.f32 v9, v24;
	v24 =	vmax.f32 v36, v35;
	v38 =	vld [tilespmem:s22+$0x170]  }
0x37: {  	v14 =	vmin.f32 v11, v14;
	v11 =	vmovc v5;
	v36 =	vmax.f32 v24, v18;
	v8 =	vld [tilespmem:s22+$0x80];
	v35 =	vmin.f32 v9, v34  }
0x38: {  	v12 =	vmax.f32 v12, v20;
	v14 =	vmax.f32 v17, v14;
	v9 =	vmax.f32 v9, v34;
	v40 =	vld [tilespmem:s22+$0x70]  }
0x39: {  	v15 =	vmax.f32 v15, v39;
	v14 =	vmax.f32 v14, v22;
	v20 =	vld [tilespmem:s22+$0xF0];
	v17 =	vmin.f32 v9, v30  }
0x3a: {  	v34 =	vmin.f32 v28, v29;
	v28 =	vmax.f32 v28, v29;
	v29 =	vmax.f32 v32, v31;
	v22 =	vld [tilespmem:s22+$0x60]  }
0x3b: {  	v21 =	vmin.f32 v26, v21;
	v12 =	vmax.f32 v12, v34;
	v9 =	vmax.f32 v9, v30;
	v31 =	vld [tilespmem:s22+$0x50]  }
0x3c: {  	v15 =	vmax.f32 v15, v35;
	v30 =	vmin.f32 v28, v10;
	v32 =	vmin.f32 v9, v37;
	v26 =	vld [tilespmem:s22+$0x40]  }
0x3d: {  	v14 =	vmax.f32 v14, v27;
	v15 =	vmax.f32 v15, v17;
	v9 =	vmax.f32 v9, v37;
	v34 =	vld [tilespmem:s22+$0x90]  }
0x3e: {  	v28 =	vmax.f32 v28, v10;
	v17 =	vmax.f32 v14, v21;
	v21 =	vmax.f32 v23, v25;
	v27 =	vld [tilespmem:s22+$0x30]  }
0x3f: {  	v10 =	vmax.f32 v13, v19;
	v13 =	vmin.f32 v24, v18;
	v15 =	vmax.f32 v15, v32;
	v23 =	vld [tilespmem:s22+$0x160]  }
0x40: {  	v12 =	vmax.f32 v12, v30;
	v18 =	vmin.f32 v7, v31;
	v7 =	vmax.f32 v7, v31;
	v19 =	vld [tilespmem:s22+$0xE0]  }
0x41: {  	v13 =	vmax.f32 v29, v13;
	v30 =	vmin.f32 v3, v22;
	v3 =	vmax.f32 v3, v22;
	v25 =	vld [tilespmem:s22+$0x0]  }
0x42: {  	v16 =	vmax.f32 v10, v16;
	v14 =	vmin.f32 v4, v40;
	v4 =	vmax.f32 v4, v40;
	v29 =	vld [tilespmem:s22+$0x1F0]  }
0x43: {  	v2 =	vmax.f32 v2, v14;
	v32 =	vmax.f32 v33, v26;
	v10 =	vmin.f32 v36, v27;
	v37 =	vld [tilespmem:s22+$0x1E0]  }
0x44: {  	v39 =	vmax.f32 v13, v10;
	v13 =	vld [tilespmem:s22+$0xD0];
	v10 =	vmin.f32 v4, v20;
	v4 =	vmax.f32 v4, v20  }
0x45: {  	v20 =	vmin.f32 v33, v26;
	v22 =	vmin.f32 v3, v19;
	v2 =	vmax.f32 v2, v10;
	v26 =	vld [tilespmem:s22+$0x150]  }
0x46: {  	v36 =	vmax.f32 v36, v27;
	v10 =	vmin.f32 v4, v38;
	v4 =	vmax.f32 v4, v38;
	v35 =	vld [tilespmem:s22+$0x1D0]  }
0x47: {  	v24 =	vmin.f32 v28, v25;
	v2 =	vmax.f32 v2, v10;
	v14 =	vld [tilespmem:s22+$0x10];
	v27 =	vmin.f32 v4, v29  }
0x48: {  	v6 =	vmax.f32 v6, v18;
	v12 =	vmax.f32 v12, v24;
	v10 =	vld [tilespmem:s22+$0x180];
	v2 =	vmax.f32 v2, v27  }
0x49: {  	v16 =	vmax.f32 v16, v30;
	v18 =	vmax.f32 v21, v20;
	v24 =	vld [tilespmem:s22+$0x20];
	v21 =	vmin.f32 v7, v13  }
0x4a: {  	v25 =	vmax.f32 v28, v25;
	v7 =	vmax.f32 v7, v13;
	v13 =	vmax.f32 v16, v22;
	v28 =	vld [tilespmem:s22+$0xC0]  }
0x4b: {  	v20 =	vmin.f32 v25, v8;
	v16 =	vmin.f32 v7, v26;
	v7 =	vmax.f32 v7, v26;
	v30 =	vld [tilespmem:s22+$0xB0]  }
0x4c: {  	v19 =	vmax.f32 v3, v19;
	v6 =	vmax.f32 v6, v21;
	v5 =	vmax.f32 v5, v14;
	v38 =	vld [tilespmem:s22+$0x140]  }
0x4d: {  	v6 =	vmax.f32 v6, v16;
	v16 =	vmax.f32 v19, v23;
	v22 =	vmin.f32 v5, v34;
	v27 =	vld [tilespmem:s22+$0x110]  }
0x4e: {  	v3 =	vmax.f32 v16, v37;
	v31 =	vmax.f32 v5, v34;
	v5 =	vmin.f32 v7, v35;
	v21 =	vld [tilespmem:s22+$0x190]  }
0x4f: {  	v4 =	vmax.f32 v4, v29;
	v7 =	vmax.f32 v7, v35;
	v26 =	vmin.f32 v32, v28;
	v33 =	vld [tilespmem:s22+$0x1C0]  }
.Ltmp0:
0x50: {  	v16 =	vmin.f32 v16, v37;
	v32 =	vmax.f32 v32, v28;
	v40 =	vmax.f32 v18, v26;
	v35 =	vld [tilespmem:s22+$0x130];
	(pc) =	sbr.rel @p0 .LBB2_3-.Ltmp0, $4  }
0x51: {  	v19 =	vmin.f32 v19, v23;
	v37 =	vmin.f32 v36, v30;
	v41 =	vmin.f32 v32, v38;
	v18 =	vld [tilespmem:s22+$0x1B0]  }
0x52: {  	v6 =	vmax.f32 v6, v5;
	v36 =	vmax.f32 v36, v30;
	v34 =	vld [tilespmem:s22+$0xA0];
	v26 =	vmax.f32 v31, v27  }
0x53: {  	v28 =	vmax.f32 v25, v8;
	v8 =	vmax.f32 v32, v38;
	v29 =	vld [tilespmem:s22+$0x100];
	v5 =	vmax.f32 v26, v21  }
0x54: {  	v32 =	vmax.f32 v39, v37;
	v23 =	vmax.f32 v40, v41;
	v30 =	vld [tilespmem:s22+$0x120];
	v25 =	vmin.f32 v8, v33  }
0x55: {  	s21 =	smul.u32 $0x3, s20;
	_ =	sdelay $0x1  }
0x56: {  	s23 =	sadd.s32 $0x3, s21  }
0x57: {  	s24 =	sadd.s32 s4, s23;
	s23 =	sshll.u32 s23, $0x4  }
0x58: {  	s24 =	sshll.u32 s24, $0xC;
	s23 =	sand.u32 $0x70, s23  }
0x59: {  	s24 =	sand.u32 $0x1FFF8000, s24;
	s23 =	sadd.s32 s2, s23  }
0x5a: {  	s31 =	simm.s32 $0x0;
	s30 =	sadd.s32 s24, s23  }
0x5b: {  	v37 =	vld [tilespmem:s22+$0x1A0];
	[tilespmem:s31], [sflag:$0x1] =	stream.strided.gather [hbm4b:s30+s10], $0x8000, s11, s10, $0x38  }
0x5c: {  	v27 =	vmin.f32 v31, v27;
	_ =	swait.ge [sflag:s15], $0x8000  }
0x5d: {  	v31 =	vmin.f32 v36, v35;
	v8 =	vmax.f32 v8, v33;
	v52 =	vmin.f32 v9, v24;
	[sflag:s15] =	ssyncset.done $0x0  }
0x5e: {  	v24 =	vmax.f32 v9, v24;
	v53 =	vmax.f32 v36, v35;
	v11 =	vmin.f32 v11, v14;
	s22 =	simm.s32 $0x0;
	[sflag:s15] =	ssyncadd.s32 $0xFFFF8000  }
0x5f: {  	v12 =	vmax.f32 v12, v20;
	v13 =	vmax.f32 v13, v19;
	v9 =	vmax.f32 v53, v18;
	v54 =	vld [tilespmem:s22+$0x8170]  }
0x60: {  	v11 =	vmax.f32 v17, v11;
	v14 =	vmin.f32 v24, v34;
	v17 =	vmax.f32 v24, v34;
	v24 =	vld [tilespmem:s22+$0x8080]  }
0x61: {  	v15 =	vmax.f32 v15, v52;
	v11 =	vmax.f32 v11, v22;
	v22 =	vmin.f32 v28, v29;
	v55 =	vld [tilespmem:s22+$0x8070]  }
0x62: {  	v28 =	vmax.f32 v28, v29;
	v29 =	vmax.f32 v32, v31;
	v20 =	vmin.f32 v17, v30;
	v31 =	vld [tilespmem:s22+$0x80F0]  }
0x63: {  	v22 =	vmax.f32 v12, v22;
	v12 =	vmax.f32 v17, v30;
	v17 =	vmin.f32 v26, v21;
	v21 =	vld [tilespmem:s22+$0x8060]  }
0x64: {  	v18 =	vmin.f32 v53, v18;
	v14 =	vmax.f32 v15, v14;
	v11 =	vmax.f32 v11, v27;
	v27 =	vld [tilespmem:s22+$0x8050]  }
0x65: {  	v26 =	vmin.f32 v28, v10;
	v20 =	vmax.f32 v14, v20;
	v14 =	vmax.f32 v28, v10;
	v10 =	vld [tilespmem:s22+$0x8040]  }
0x66: {  	v13 =	vmax.f32 v13, v16;
	v17 =	vmax.f32 v11, v17;
	v11 =	vmax.f32 v23, v25;
	v23 =	vld [tilespmem:s22+$0x8030]  }
0x67: {  	v16 =	vimm.f32 $-3.000000010e+38;
	v32 =	vimm.f32 $-3.000000010e+38;
	v19 =	vmax.f32 v22, v26;
	v22 =	vld [tilespmem:s22+$0x8090]  }
0x68: {  	v18 =	vmax.f32 v29, v18;
	v15 =	vmin.f32 v12, v37;
	v12 =	vmax.f32 v12, v37;
	v25 =	vld [tilespmem:s22+$0x80E0]  }
0x69: {  	v15 =	vmax.f32 v20, v15;
	v57 =	vld [tilespmem:s22+$0x81F0];
	v20 =	vmin.f32 v16, v27;
	v26 =	vmax.f32 v16, v27  }
0x6a: {  	v48 =	vld [tilespmem:s22+$0x80C0];
	v29 =	vmin.f32 v16, v21;
	v56 =	vmax.f32 v16, v21;
	v21 =	vmin.f32 v16, v55  }
0x6b: {  	v39 =	vld [tilespmem:s22+$0x8160];
	v28 =	vmax.f32 v16, v55;
	v30 =	vmin.f32 v16, v23;
	v40 =	vmax.f32 v16, v10  }
0x6c: {  	v49 =	vld [tilespmem:s22+$0x80B0];
	v59 =	vmin.f32 v16, v10;
	v23 =	vmax.f32 v16, v23;
	v21 =	vmax.f32 v16, v21  }
0x6d: {  	v62 =	vld [tilespmem:s22+$0x8140];
	v47 =	vmax.f32 v16, v30;
	v30 =	vmin.f32 v28, v31;
	v28 =	vmax.f32 v28, v31  }
0x6e: {  	v58 =	vld [tilespmem:s22+$0x80D0];
	v60 =	vmin.f32 v56, v25;
	v42 =	vmax.f32 v16, v20;
	v45 =	vmax.f32 v16, v59  }
0x6f: {  	v27 =	vld [tilespmem:s22+$0x8000];
	v25 =	vmax.f32 v56, v25;
	v63 =	vmin.f32 v40, v48;
	v40 =	vmax.f32 v40, v48  }
0x70: {  	v38 =	vld [tilespmem:s22+$0x8150];
	v10 =	vmax.f32 v21, v30;
	v21 =	vmin.f32 v28, v54;
	v36 =	vmax.f32 v28, v54  }
0x71: {  	v41 =	vld [tilespmem:s22+$0x81D0];
	v51 =	vmax.f32 v23, v49;
	v10 =	vmax.f32 v10, v21;
	v21 =	vmin.f32 v36, v57  }
0x72: {  	v43 =	vld [tilespmem:s22+$0x8110];
	v54 =	vmax.f32 v45, v63;
	v55 =	vmin.f32 v40, v62;
	v10 =	vmax.f32 v10, v21  }
0x73: {  	v35 =	vld [tilespmem:s22+$0x8190];
	v21 =	vmax.f32 v16, v29;
	v29 =	vmin.f32 v26, v58;
	v26 =	vmax.f32 v26, v58  }
0x74: {  	v52 =	vld [tilespmem:s22+$0x81C0];
	v28 =	vmin.f32 v16, v27;
	v46 =	vmax.f32 v16, v27;
	v21 =	vmax.f32 v21, v60  }
0x75: {  	v30 =	vld [tilespmem:s22+$0x8010];
	v27 =	vmin.f32 v26, v38;
	v26 =	vmax.f32 v26, v38;
	v29 =	vmax.f32 v42, v29  }
0x76: {  	v31 =	vld [tilespmem:s22+$0x81E0];
	v28 =	vmax.f32 v16, v28;
	v33 =	vmin.f32 v46, v24;
	v50 =	vmax.f32 v29, v27  }
0x77: {  	v34 =	vld [tilespmem:s22+$0x81B0];
	v29 =	vmax.f32 v25, v39;
	v53 =	vmin.f32 v26, v41;
	v27 =	vmax.f32 v26, v41  }
0x78: {  	v20 =	vld [tilespmem:s22+$0x8180];
	v26 =	vmax.f32 v36, v57;
	v36 =	vmin.f32 v25, v39;
	v45 =	vmax.f32 v46, v24  }
0x79: {  	v48 =	vld [tilespmem:s22+$0x8130];
	v41 =	vmax.f32 v40, v62;
	v39 =	vmax.f32 v54, v55;
	v24 =	vimm.f32 $-3.000000010e+38  }
0x7a: {  	v38 =	vld [tilespmem:s22+$0x8020];
	v61 =	vmax.f32 v16, v30;
	v25 =	vmax.f32 v50, v53;
	v40 =	vmin.f32 v41, v52  }
0x7b: {  	v50 =	vld [tilespmem:s22+$0x80A0];
	v37 =	vmin.f32 v61, v22;
	v44 =	vmax.f32 v61, v22;
	v22 =	vmax.f32 v29, v31  }
0x7c: {  	v46 =	vld [tilespmem:s22+$0x8100];
	v29 =	vmin.f32 v29, v31;
	v31 =	vmin.f32 v23, v49;
	v42 =	vmax.f32 v44, v43  }
0x7d: {  	s23 =	simm.s32 $0x800;
	v49 =	vld [tilespmem:s22+$0x8120];
	v47 =	vmax.f32 v47, v31;
	v31 =	vimm.f32 $-3.000000010e+38;
	v23 =	vmax.f32 v42, v35  }
.LBB2_5:
0x7e: {  	p0 =	sne.s32 s23, $0x1F800;
	v43 =	vmin.f32 v44, v43;
	v44 =	vmin.f32 v51, v48;
	v53 =	vld [tilespmem:s22+$0x81A0];
	s22 =	sshra.s32 s23, $0x2;
	s23 =	sadd.s32 $0x800, s23;
	v52 =	vmax.f32 v41, v52  }
0x7f: {  	v55 =	vmin.f32 v16, v38;
	v16 =	vmax.f32 v16, v38;
	v38 =	vmax.f32 v51, v48;
	v54 =	vld [tilespmem:s22+$0x8170]  }
0x80: {  	v30 =	vmin.f32 v24, v30;
	v24 =	vmovc v23;
	v51 =	vmax.f32 v38, v34;
	v41 =	vld [tilespmem:s22+$0x8080];
	v48 =	vmin.f32 v16, v50  }
0x81: {  	v28 =	vmax.f32 v28, v33;
	v30 =	vmax.f32 v32, v30;
	v16 =	vmax.f32 v16, v50;
	v56 =	vld [tilespmem:s22+$0x8070]  }
0x82: {  	v31 =	vmax.f32 v31, v55;
	v30 =	vmax.f32 v30, v37;
	v33 =	vld [tilespmem:s22+$0x80F0];
	v32 =	vmin.f32 v16, v49  }
0x83: {  	v44 =	vmax.f32 v47, v44;
	v50 =	vmin.f32 v45, v46;
	v45 =	vmax.f32 v45, v46;
	v37 =	vld [tilespmem:s22+$0x8060]  }
0x84: {  	v35 =	vmin.f32 v42, v35;
	v28 =	vmax.f32 v28, v50;
	v16 =	vmax.f32 v16, v49;
	v46 =	vld [tilespmem:s22+$0x8050]  }
0x85: {  	v31 =	vmax.f32 v31, v48;
	v47 =	vmin.f32 v45, v20;
	v48 =	vmin.f32 v16, v53;
	v42 =	vld [tilespmem:s22+$0x8040]  }
0x86: {  	v30 =	vmax.f32 v30, v43;
	v31 =	vmax.f32 v31, v32;
	v16 =	vmax.f32 v16, v53;
	v49 =	vld [tilespmem:s22+$0x8090]  }
0x87: {  	v45 =	vmax.f32 v45, v20;
	v32 =	vmax.f32 v30, v35;
	v35 =	vmax.f32 v39, v40;
	v43 =	vld [tilespmem:s22+$0x8030]  }
0x88: {  	v20 =	vmax.f32 v21, v36;
	v21 =	vmin.f32 v38, v34;
	v31 =	vmax.f32 v31, v48;
	v39 =	vld [tilespmem:s22+$0x8160]  }
0x89: {  	v28 =	vmax.f32 v28, v47;
	v34 =	vmin.f32 v27, v46;
	v27 =	vmax.f32 v27, v46;
	v36 =	vld [tilespmem:s22+$0x80E0]  }
0x8a: {  	v21 =	vmax.f32 v44, v21;
	v46 =	vmin.f32 v22, v37;
	v22 =	vmax.f32 v22, v37;
	v40 =	vld [tilespmem:s22+$0x8000]  }
0x8b: {  	v29 =	vmax.f32 v20, v29;
	v30 =	vmin.f32 v26, v56;
	v26 =	vmax.f32 v26, v56;
	v47 =	vld [tilespmem:s22+$0x81F0]  }
0x8c: {  	v10 =	vmax.f32 v10, v30;
	v48 =	vmax.f32 v52, v42;
	v20 =	vmin.f32 v51, v43;
	v50 =	vld [tilespmem:s22+$0x81E0]  }
0x8d: {  	v53 =	vmax.f32 v21, v20;
	v21 =	vld [tilespmem:s22+$0x80D0];
	v20 =	vmin.f32 v26, v33;
	v26 =	vmax.f32 v26, v33  }
0x8e: {  	v33 =	vmin.f32 v52, v42;
	v37 =	vmin.f32 v22, v36;
	v10 =	vmax.f32 v10, v20;
	v42 =	vld [tilespmem:s22+$0x8150]  }
0x8f: {  	v51 =	vmax.f32 v51, v43;
	v20 =	vmin.f32 v26, v54;
	v26 =	vmax.f32 v26, v54;
	v54 =	vld [tilespmem:s22+$0x81D0]  }
0x90: {  	v38 =	vmin.f32 v45, v40;
	v10 =	vmax.f32 v10, v20;
	v30 =	vld [tilespmem:s22+$0x8010];
	v43 =	vmin.f32 v26, v47  }
0x91: {  	v25 =	vmax.f32 v25, v34;
	v28 =	vmax.f32 v28, v38;
	v20 =	vld [tilespmem:s22+$0x8180];
	v10 =	vmax.f32 v10, v43  }
0x92: {  	v29 =	vmax.f32 v29, v46;
	v34 =	vmax.f32 v35, v33;
	v38 =	vld [tilespmem:s22+$0x8020];
	v35 =	vmin.f32 v27, v21  }
0x93: {  	v40 =	vmax.f32 v45, v40;
	v27 =	vmax.f32 v27, v21;
	v21 =	vmax.f32 v29, v37;
	v45 =	vld [tilespmem:s22+$0x80C0]  }
0x94: {  	v33 =	vmin.f32 v40, v41;
	v29 =	vmin.f32 v27, v42;
	v27 =	vmax.f32 v27, v42;
	v46 =	vld [tilespmem:s22+$0x80B0]  }
0x95: {  	v36 =	vmax.f32 v22, v36;
	v25 =	vmax.f32 v25, v35;
	v23 =	vmax.f32 v23, v30;
	v55 =	vld [tilespmem:s22+$0x8140]  }
0x96: {  	v25 =	vmax.f32 v25, v29;
	v29 =	vmax.f32 v36, v39;
	v37 =	vmin.f32 v23, v49;
	v43 =	vld [tilespmem:s22+$0x8110]  }
0x97: {  	v22 =	vmax.f32 v29, v50;
	v44 =	vmax.f32 v23, v49;
	v23 =	vmin.f32 v27, v54;
	v35 =	vld [tilespmem:s22+$0x8190]  }
0x98: {  	v26 =	vmax.f32 v26, v47;
	v27 =	vmax.f32 v27, v54;
	v42 =	vmin.f32 v48, v45;
	v52 =	vld [tilespmem:s22+$0x81C0]  }
.Ltmp1:
0x99: {  	v29 =	vmin.f32 v29, v50;
	v47 =	vmax.f32 v48, v45;
	v54 =	vmax.f32 v34, v42;
	v48 =	vld [tilespmem:s22+$0x8130];
	(pc) =	sbr.rel @p0 .LBB2_5-.Ltmp1, $4  }
0x9a: {  	v36 =	vmin.f32 v36, v39;
	v49 =	vmin.f32 v51, v46;
	v56 =	vmin.f32 v47, v55;
	v34 =	vld [tilespmem:s22+$0x81B0]  }
0x9b: {  	v25 =	vmax.f32 v25, v23;
	v51 =	vmax.f32 v51, v46;
	v50 =	vld [tilespmem:s22+$0x80A0];
	v42 =	vmax.f32 v44, v43  }
0x9c: {  	v45 =	vmax.f32 v40, v41;
	v41 =	vmax.f32 v47, v55;
	v46 =	vld [tilespmem:s22+$0x8100];
	v23 =	vmax.f32 v42, v35  }
0x9d: {  	v47 =	vmax.f32 v53, v49;
	v39 =	vmax.f32 v54, v56;
	v49 =	vld [tilespmem:s22+$0x8120];
	v40 =	vmin.f32 v41, v52  }
0x9e: {  	v53 =	vmax.f32 v14, v5  }
0x9f: {  	v54 =	vmax.f32 v12, v9;
	v55 =	vmax.f32 v8, v7;
	v56 =	vmax.f32 v3, v4  }
0xa0: {  	v57 =	vmax.f32 v53, v54;
	v58 =	vmax.f32 v55, v56  }
0xa1: {  	v59 =	vmax.f32 v57, v58  }
0xa2: {  	(xrf0) =	vmax.scan.msk.f32 $0xffff, v59;
	_ =	sdelay $0x5  }
0xa3: {  	v60, _, _ =	vpop (xrf0)  }
0xa4: {  	v5 =	vmin.f32 v14, v5;
	v14 =	vmax.f32 v19, v17;
	v61 =	vbroadcast v60, $0xF  }
0xa5: {  	v17 =	vmax.f32 v41, v52;
	v9 =	vmin.f32 v12, v9;
	v12 =	vmax.f32 v15, v18  }
0xa6: {  	v7 =	vmin.f32 v8, v7;
	v6 =	vmax.f32 v11, v6;
	vm0 =	veq.f32 v59, v61  }
0xa7: {  	v3 =	vmin.f32 v3, v4;
	v5 =	vmax.f32 v14, v5;
	v14 =	vsel vm0, $0x1, v0  }
0xa8: {  	v4 =	vmax.f32 v16, v38;
	v2 =	vmax.f32 v13, v2;
	v18 =	vmax.f32 v22, v26;
	(xrf0) =	vadd.scan.msk.s32 $0xffff, v14  }
0xa9: {  	v8 =	vld [tilespmem:s22+$0x81A0];
	v9 =	vmax.f32 v12, v9;
	v6 =	vmax.f32 v6, v7;
	v7 =	vmax.f32 v51, v48  }
0xaa: {  	v2 =	vmax.f32 v2, v3;
	v12 =	vmin.f32 v53, v54;
	v11 =	vmax.f32 v7, v34  }
0xab: {  	v3 =	vmax.f32 v4, v50;
	v5 =	vmax.f32 v5, v9;
	v2 =	vmax.f32 v6, v2  }
0xac: {  	v13 =	vmax.f32 v45, v46;
	v5 =	vmax.f32 v5, v12;
	v14 =	vmin.f32 v55, v56  }
0xad: {  	v9 =	vmax.f32 v3, v49;
	v6 =	vmax.f32 v13, v20;
	v2 =	vmax.f32 v2, v14  }
0xae: {  	v15 =	vmax.f32 v9, v8;
	v14 =	vmin.f32 v57, v58;
	v2 =	vmax.f32 v5, v2;
	v12, _, _ =	vpop (xrf0)  }
0xaf: {  	v5 =	vmax.f32 v6, v23;
	v2 =	vmax.f32 v2, v14;
	vm1 =	veq.s32 v12, $0x1  }
0xb0: {  	v14 =	vmax.f32 v17, v27;
	v12 =	vmax.f32 v15, v11;
	vm0 =	vmand vm0, vm1  }
0xb1: {  	v55 =	vmax.f32 v14, v18;
	v19 =	vmax.f32 v5, v12;
	v2 =	vsel vm0, v2, v59  }
0xb2: {  	(xrf0) =	vmax.scan.msk.f32 $0xffff, v2;
	v2 =	vmax.f32 v19, v55  }
0xb3: {  	(xrf0) =	vmax.scan.msk.f32 $0xffff, v2  }
0xb4: {  	v43 =	vmin.f32 v44, v43;
	v16 =	vmin.f32 v16, v38  }
0xb5: {  	v24 =	vmin.f32 v24, v30;
	v28 =	vmax.f32 v28, v33;
	v21 =	vmax.f32 v21, v36  }
0xb6: {  	v24 =	vmax.f32 v32, v24;
	v16 =	vmax.f32 v31, v16;
	v4 =	vmin.f32 v4, v50  }
0xb7: {  	v24 =	vmax.f32 v24, v37;
	v7 =	vmin.f32 v7, v34;
	v30 =	vmin.f32 v45, v46  }
0xb8: {  	v4 =	vmax.f32 v16, v4;
	v3 =	vmin.f32 v3, v49;
	v28 =	vmax.f32 v28, v30;
	v31, _, _ =	vpop (xrf0)  }
0xb9: {  	v30 =	vmin.f32 v42, v35;
	v13 =	vmin.f32 v13, v20;
	v8 =	vmin.f32 v9, v8;
	v16, _, _ =	vpop (xrf0)  }
0xba: {  	v9 =	vmax.f32 v24, v43;
	v3 =	vmax.f32 v4, v3;
	v20 =	vbroadcast v16, $0xF  }
0xbb: {  	v4 =	vmax.f32 v9, v30;
	v9 =	vmax.f32 v39, v40;
	v3 =	vmax.f32 v3, v8  }
0xbc: {  	v8 =	vmax.f32 v28, v13;
	v56 =	vmin.f32 v51, v48;
	vm14 =	veq.f32 v2, v20  }
0xbd: {  	v4 =	vmax.f32 v8, v4;
	v57 =	vmax.f32 v47, v56;
	v13 =	vsel vm14, $0x1, v0  }
0xbe: {  	v8 =	vmin.f32 v15, v11;
	v7 =	vmax.f32 v57, v7;
	v6 =	vmin.f32 v6, v23;
	(xrf0) =	vadd.scan.msk.s32 $0xffff, v13  }
0xbf: {  	v3 =	vmax.f32 v3, v7;
	v4 =	vmax.f32 v4, v6;
	v6 =	vmin.f32 v17, v27  }
0xc0: {  	v7 =	vmax.f32 v9, v25;
	v3 =	vmax.f32 v3, v8;
	v20 =	vmax.f32 v21, v29  }
0xc1: {  	v8 =	vmin.f32 v22, v26;
	v5 =	vmin.f32 v5, v12;
	v9 =	vmax.f32 v20, v10  }
0xc2: {  	v6 =	vmax.f32 v7, v6;
	v7 =	vmax.f32 v9, v8  }
0xc3: {  	v3 =	vmax.f32 v4, v3;
	v4 =	vmin.f32 v14, v18;
	v6 =	vmax.f32 v6, v7  }
0xc4: {  	v3 =	vmax.f32 v3, v5;
	v4 =	vmax.f32 v6, v4;
	v5, _, _ =	vpop (xrf0)  }
0xc5: {  	v6 =	vmin.f32 v19, v55;
	v3 =	vmax.f32 v3, v4;
	vm15 =	veq.s32 v5, $0x1  }
0xc6: {  	v3 =	vmax.f32 v3, v6;
	vm0 =	vmand vm14, vm15  }
0xc7: {  	v2 =	vsel vm0, v3, v2  }
0xc8: {  	(xrf0) =	vmax.scan.msk.f32 $0xffff, v2;
	_ =	sdelay $0x3  }
0xc9: {  	(v2sf) =	vpush v60, $0xF  }
0xca: {  	(v2sf) =	vpush v31, $0xF  }
0xcb: {  	(v2sf) =	vpush v16, $0xF;
	v2, _, _ =	vpop (xrf0)  }
0xcc: {  	(v2sf) =	vpush v2, $0xF;
	_ =	sdelay $0x4  }
0xcd: {  	p0 =	seq.s32 s20, $0x154  }
0xce: {  	s22 =	sadd.s32 @!p0 $0x4, s21  }
0xcf: {  	s23 =	sadd.s32 @!p0 s4, s22;
	s22 =	sshll.u32 @!p0 s22, $0x4  }
0xd0: {  	s23 =	sshll.u32 @!p0 s23, $0xC;
	s22 =	sand.u32 @!p0 $0x70, s22  }
0xd1: {  	s25 =	simm.s32 @!p0 $0x400;
	s23 =	sand.u32 @!p0 $0x1FFF8000, s23;
	s22 =	sadd.s32 @!p0 s2, s22  }
0xd2: {  	s26 =	simm.s32 @!p0 $0x8000;
	s22 =	sadd.s32 @!p0 s23, s22;
	s23 =	simm.s32 @!p0 $0x80  }
0xd3: {  	[tilespmem:s26], [sflag:$0x2] =	stream.strided.gather @!p0 [hbm4b:s22+s23], $0x8000, s25, s23, $0x38;
	[tilespmem:$0x18080] =	vst v63  }
0xd4: {  	s24 =	spop (v2sf)  }
0xd5: {  	s28 =	spop (v2sf)  }
0xd6: {  	s29 =	spop (v2sf)  }
0xd7: {  	s30 =	spop (v2sf)  }
0xd8: {  	_ =	swait.ge [sflag:s16], $0x8000  }
0xd9: {  	[sflag:s16] =	ssyncset.done $0x0  }
0xda: {  	s22 =	simm.s32 $0x0;
	[sflag:s16] =	ssyncadd.s32 $0xFFFF8000  }
0xdb: {  	v2 =	vld [tilespmem:s22+$0x10170]  }
0xdc: {  	v7 =	vld [tilespmem:s22+$0x10080]  }
0xdd: {  	v4 =	vld [tilespmem:s22+$0x10070]  }
0xde: {  	v5 =	vld [tilespmem:s22+$0x100F0]  }
0xdf: {  	v6 =	vld [tilespmem:s22+$0x10060]  }
0xe0: {  	s23 =	ssub.f32 s24, s28;
	v8 =	vld [tilespmem:s22+$0x10050]  }
0xe1: {  	v9 =	vld [tilespmem:s22+$0x10040]  }
0xe2: {  	v1 =	vadd.f32 s23, v1;
	s31 =	ssub.f32 s29, s30;
	v10 =	vld [tilespmem:s22+$0x10030]  }
0xe3: {  	v11 =	vld [tilespmem:s22+$0x10090]  }
0xe4: {  	v3 =	vimm.f32 $-3.000000010e+38;
	v1 =	vadd.f32 s31, v1;
	v14 =	vld [tilespmem:s22+$0x100E0]  }
0xe5: {  	v31 =	vld [tilespmem:s22+$0x100C0];
	v15 =	vmin.f32 v3, v8;
	v8 =	vmax.f32 v3, v8;
	v17 =	vmin.f32 v3, v6  }
0xe6: {  	v16 =	vld [tilespmem:s22+$0x10000];
	v6 =	vmax.f32 v3, v6;
	v12 =	vmin.f32 v3, v4;
	v4 =	vmax.f32 v3, v4  }
0xe7: {  	v18 =	vld [tilespmem:s22+$0x101F0];
	v13 =	vmin.f32 v3, v10;
	v21 =	vmax.f32 v3, v9;
	v26 =	vmax.f32 v3, v10  }
0xe8: {  	v19 =	vld [tilespmem:s22+$0x10160];
	v12 =	vmax.f32 v3, v12;
	v24 =	vmax.f32 v3, v13;
	v13 =	vmin.f32 v4, v5  }
0xe9: {  	v20 =	vld [tilespmem:s22+$0x100D0];
	v4 =	vmax.f32 v4, v5;
	v5 =	vmin.f32 v3, v9;
	v9 =	vmin.f32 v6, v14  }
0xea: {  	v25 =	vld [tilespmem:s22+$0x101E0];
	v15 =	vmax.f32 v3, v15;
	v61 =	vmin.f32 v21, v31;
	v12 =	vmax.f32 v12, v13  }
0xeb: {  	v22 =	vld [tilespmem:s22+$0x10150];
	v10 =	vmin.f32 v4, v2;
	v23 =	vmax.f32 v4, v2;
	v2 =	vmin.f32 v3, v16  }
0xec: {  	v29 =	vld [tilespmem:s22+$0x101D0];
	v30 =	vmax.f32 v3, v5;
	v5 =	vmax.f32 v3, v17;
	v16 =	vmax.f32 v3, v16  }
0xed: {  	v13 =	vld [tilespmem:s22+$0x10010];
	v4 =	vmax.f32 v12, v10;
	v10 =	vmin.f32 v23, v18;
	v12 =	vmax.f32 v3, v2  }
0xee: {  	v58 =	vld [tilespmem:s22+$0x10140];
	v5 =	vmax.f32 v5, v9;
	v17 =	vmin.f32 v16, v7;
	v62 =	vmax.f32 v30, v61  }
0xef: {  	v27 =	vld [tilespmem:s22+$0x10110];
	v2 =	vmax.f32 v4, v10;
	v10 =	vmin.f32 v8, v20;
	v8 =	vmax.f32 v8, v20  }
0xf0: {  	v9 =	vld [tilespmem:s22+$0x100B0];
	v20 =	vmin.f32 v8, v22;
	v10 =	vmax.f32 v15, v10;
	v15 =	vmax.f32 v6, v14  }
0xf1: {  	v35 =	vld [tilespmem:s22+$0x101C0];
	v8 =	vmax.f32 v8, v22;
	v59 =	vmax.f32 v10, v20;
	v14 =	vmax.f32 v15, v19  }
0xf2: {  	v33 =	vld [tilespmem:s22+$0x100A0];
	v60 =	vmin.f32 v8, v29;
	v10 =	vmax.f32 v23, v18;
	v28 =	vmax.f32 v3, v13  }
0xf3: {  	v34 =	vld [tilespmem:s22+$0x10120];
	v6 =	vmax.f32 v14, v25;
	v14 =	vmin.f32 v14, v25;
	v22 =	vmin.f32 v28, v11  }
0xf4: {  	v20 =	vld [tilespmem:s22+$0x10190];
	v28 =	vmax.f32 v28, v11;
	v11 =	vmax.f32 v8, v29;
	v8 =	vmax.f32 v21, v31  }
0xf5: {  	v31 =	vld [tilespmem:s22+$0x10130];
	v25 =	vmin.f32 v26, v9;
	v21 =	vmin.f32 v15, v19;
	v36 =	vmax.f32 v26, v9  }
0xf6: {  	v23 =	vld [tilespmem:s22+$0x10020];
	v9 =	vmax.f32 v59, v60;
	v29 =	vmax.f32 v16, v7;
	v7 =	vimm.f32 $-3.000000010e+38  }
0xf7: {  	v19 =	vld [tilespmem:s22+$0x101B0];
	v16 =	vimm.f32 $-3.000000010e+38;
	v15 =	vimm.f32 $-3.000000010e+38;
	v63 =	vmin.f32 v8, v58  }
0xf8: {  	v30 =	vld [tilespmem:s22+$0x10100];
	v26 =	vmax.f32 v28, v27;
	v18 =	vmax.f32 v8, v58;
	v32 =	vmax.f32 v24, v25  }
0xf9: {  	s23 =	simm.s32 $0x800;
	v4 =	vld [tilespmem:s22+$0x10180];
	v24 =	vmax.f32 v62, v63;
	v25 =	vmin.f32 v18, v35;
	v8 =	vmax.f32 v26, v20  }
.LBB2_7:
0xfa: {  	p1 =	sne.s32 s23, $0x1F800;
	v27 =	vmin.f32 v28, v27;
	v28 =	vmin.f32 v36, v31;
	v37 =	vld [tilespmem:s22+$0x101A0];
	s22 =	sshra.s32 s23, $0x2;
	s23 =	sadd.s32 $0x800, s23;
	v35 =	vmax.f32 v18, v35  }
0xfb: {  	v39 =	vmin.f32 v3, v23;
	v3 =	vmax.f32 v3, v23;
	v23 =	vmax.f32 v36, v31;
	v38 =	vld [tilespmem:s22+$0x10170]  }
0xfc: {  	v13 =	vmin.f32 v7, v13;
	v7 =	vmovc v8;
	v36 =	vmax.f32 v23, v19;
	v18 =	vld [tilespmem:s22+$0x10080];
	v31 =	vmin.f32 v3, v33  }
0xfd: {  	v12 =	vmax.f32 v12, v17;
	v13 =	vmax.f32 v16, v13;
	v3 =	vmax.f32 v3, v33;
	v40 =	vld [tilespmem:s22+$0x10070]  }
0xfe: {  	v15 =	vmax.f32 v15, v39;
	v13 =	vmax.f32 v13, v22;
	v17 =	vld [tilespmem:s22+$0x100F0];
	v16 =	vmin.f32 v3, v34  }
0xff: {  	v28 =	vmax.f32 v32, v28;
	v33 =	vmin.f32 v29, v30;
	v29 =	vmax.f32 v29, v30;
	v22 =	vld [tilespmem:s22+$0x10060]  }
0x100: {  	v20 =	vmin.f32 v26, v20;
	v12 =	vmax.f32 v12, v33;
	v3 =	vmax.f32 v3, v34;
	v30 =	vld [tilespmem:s22+$0x10050]  }
0x101: {  	v15 =	vmax.f32 v15, v31;
	v31 =	vmin.f32 v29, v4;
	v32 =	vmin.f32 v3, v37;
	v26 =	vld [tilespmem:s22+$0x10040]  }
0x102: {  	v13 =	vmax.f32 v13, v27;
	v15 =	vmax.f32 v15, v16;
	v3 =	vmax.f32 v3, v37;
	v33 =	vld [tilespmem:s22+$0x10090]  }
0x103: {  	v29 =	vmax.f32 v29, v4;
	v16 =	vmax.f32 v13, v20;
	v20 =	vmax.f32 v24, v25;
	v27 =	vld [tilespmem:s22+$0x10030]  }
0x104: {  	v4 =	vmax.f32 v5, v21;
	v5 =	vmin.f32 v23, v19;
	v15 =	vmax.f32 v15, v32;
	v24 =	vld [tilespmem:s22+$0x10160]  }
0x105: {  	v12 =	vmax.f32 v12, v31;
	v19 =	vmin.f32 v11, v30;
	v11 =	vmax.f32 v11, v30;
	v21 =	vld [tilespmem:s22+$0x100E0]  }
0x106: {  	v5 =	vmax.f32 v28, v5;
	v30 =	vmin.f32 v6, v22;
	v6 =	vmax.f32 v6, v22;
	v25 =	vld [tilespmem:s22+$0x10000]  }
0x107: {  	v14 =	vmax.f32 v4, v14;
	v13 =	vmin.f32 v10, v40;
	v10 =	vmax.f32 v10, v40;
	v31 =	vld [tilespmem:s22+$0x101F0]  }
0x108: {  	v2 =	vmax.f32 v2, v13;
	v32 =	vmax.f32 v35, v26;
	v4 =	vmin.f32 v36, v27;
	v34 =	vld [tilespmem:s22+$0x101E0]  }
0x109: {  	v37 =	vmax.f32 v5, v4;
	v5 =	vld [tilespmem:s22+$0x100D0];
	v4 =	vmin.f32 v10, v17;
	v10 =	vmax.f32 v10, v17  }
0x10a: {  	v17 =	vmin.f32 v35, v26;
	v22 =	vmin.f32 v6, v21;
	v2 =	vmax.f32 v2, v4;
	v26 =	vld [tilespmem:s22+$0x10150]  }
0x10b: {  	v36 =	vmax.f32 v36, v27;
	v4 =	vmin.f32 v10, v38;
	v10 =	vmax.f32 v10, v38;
	v38 =	vld [tilespmem:s22+$0x101D0]  }
0x10c: {  	v23 =	vmin.f32 v29, v25;
	v2 =	vmax.f32 v2, v4;
	v13 =	vld [tilespmem:s22+$0x10010];
	v27 =	vmin.f32 v10, v31  }
0x10d: {  	v9 =	vmax.f32 v9, v19;
	v12 =	vmax.f32 v12, v23;
	v4 =	vld [tilespmem:s22+$0x10180];
	v2 =	vmax.f32 v2, v27  }
0x10e: {  	v14 =	vmax.f32 v14, v30;
	v19 =	vmax.f32 v20, v17;
	v23 =	vld [tilespmem:s22+$0x10020];
	v20 =	vmin.f32 v11, v5  }
0x10f: {  	v25 =	vmax.f32 v29, v25;
	v11 =	vmax.f32 v11, v5;
	v5 =	vmax.f32 v14, v22;
	v29 =	vld [tilespmem:s22+$0x100C0]  }
0x110: {  	v17 =	vmin.f32 v25, v18;
	v14 =	vmin.f32 v11, v26;
	v11 =	vmax.f32 v11, v26;
	v30 =	vld [tilespmem:s22+$0x100B0]  }
0x111: {  	v21 =	vmax.f32 v6, v21;
	v9 =	vmax.f32 v9, v20;
	v8 =	vmax.f32 v8, v13;
	v39 =	vld [tilespmem:s22+$0x10140]  }
0x112: {  	v9 =	vmax.f32 v9, v14;
	v14 =	vmax.f32 v21, v24;
	v22 =	vmin.f32 v8, v33;
	v27 =	vld [tilespmem:s22+$0x10110]  }
0x113: {  	v6 =	vmax.f32 v14, v34;
	v28 =	vmax.f32 v8, v33;
	v8 =	vmin.f32 v11, v38;
	v20 =	vld [tilespmem:s22+$0x10190]  }
0x114: {  	v10 =	vmax.f32 v10, v31;
	v11 =	vmax.f32 v11, v38;
	v26 =	vmin.f32 v32, v29;
	v35 =	vld [tilespmem:s22+$0x101C0]  }
.Ltmp2:
0x115: {  	v14 =	vmin.f32 v14, v34;
	v32 =	vmax.f32 v32, v29;
	v38 =	vmax.f32 v19, v26;
	v31 =	vld [tilespmem:s22+$0x10130];
	(pc) =	sbr.rel @p1 .LBB2_7-.Ltmp2, $4  }
0x116: {  	v21 =	vmin.f32 v21, v24;
	v34 =	vmin.f32 v36, v30;
	v40 =	vmin.f32 v32, v39;
	v19 =	vld [tilespmem:s22+$0x101B0]  }
0x117: {  	v9 =	vmax.f32 v9, v8;
	v36 =	vmax.f32 v36, v30;
	v33 =	vld [tilespmem:s22+$0x100A0];
	v26 =	vmax.f32 v28, v27  }
0x118: {  	v29 =	vmax.f32 v25, v18;
	v18 =	vmax.f32 v32, v39;
	v30 =	vld [tilespmem:s22+$0x10100];
	v8 =	vmax.f32 v26, v20  }
0x119: {  	v32 =	vmax.f32 v37, v34;
	v24 =	vmax.f32 v38, v40;
	v34 =	vld [tilespmem:s22+$0x10120];
	v25 =	vmin.f32 v18, v35  }
0x11a: {  	v37 =	vld [tilespmem:s22+$0x101A0];
	_ =	sdelay $0x1  }
0x11b: {  	v38 =	vmax.f32 v3, v23  }
0x11c: {  	v18 =	vmax.f32 v18, v35;
	v40 =	vmax.f32 v36, v31;
	v62 =	vmax.f32 v38, v33  }
0x11d: {  	v48 =	vmax.f32 v6, v10;
	v39 =	vmax.f32 v29, v30;
	v41 =	vmax.f32 v62, v34  }
0x11e: {  	v43 =	vmax.f32 v40, v19;
	v42 =	vmax.f32 v39, v4;
	v44 =	vmax.f32 v41, v37  }
0x11f: {  	v47 =	vmax.f32 v18, v11;
	v45 =	vmax.f32 v42, v8;
	v46 =	vmax.f32 v44, v43  }
0x120: {  	v50 =	vmax.f32 v47, v48;
	v49 =	vmax.f32 v45, v46  }
0x121: {  	v51 =	vmax.f32 v49, v50  }
0x122: {  	(xrf0) =	vmax.scan.msk.f32 $0xffff, v51  }
0x123: {  	v27 =	vmin.f32 v28, v27  }
0x124: {  	v63 =	vmin.f32 v36, v31;
	v3 =	vmin.f32 v3, v23;
	v7 =	vmin.f32 v7, v13  }
0x125: {  	v12 =	vmax.f32 v12, v17;
	v5 =	vmax.f32 v5, v21;
	v58 =	vmin.f32 v6, v10  }
0x126: {  	v7 =	vmax.f32 v16, v7;
	v3 =	vmax.f32 v15, v3;
	v52 =	vmin.f32 v40, v19  }
0x127: {  	v5 =	vmax.f32 v5, v14;
	v56 =	vmin.f32 v18, v11;
	v23 =	vmin.f32 v38, v33  }
0x128: {  	v7 =	vmax.f32 v7, v22;
	v33 =	vmax.f32 v32, v63;
	v2 =	vmax.f32 v5, v2;
	v36, _, _ =	vpop (xrf0)  }
0x129: {  	v61 =	vmin.f32 v47, v48;
	v35 =	vmin.f32 v39, v4;
	v39 =	vbroadcast v36, $0xF  }
0x12a: {  	v30 =	vmin.f32 v29, v30;
	v3 =	vmax.f32 v3, v23;
	v7 =	vmax.f32 v7, v27  }
0x12b: {  	v16 =	vmax.f32 v33, v52;
	v2 =	vmax.f32 v2, v58;
	vm0 =	veq.f32 v51, v39  }
0x12c: {  	v31 =	vmin.f32 v62, v34;
	v12 =	vmax.f32 v12, v30;
	v53 =	vsel vm0, $0x1, v0  }
0x12d: {  	v34 =	vmin.f32 v26, v20;
	v38 =	vmin.f32 v41, v37;
	v3 =	vmax.f32 v3, v31;
	(xrf0) =	vadd.scan.msk.s32 $0xffff, v53  }
0x12e: {  	v7 =	vmax.f32 v7, v34;
	v41 =	vmax.f32 v24, v25;
	v4 =	vmax.f32 v12, v35  }
0x12f: {  	v54 =	vmin.f32 v42, v8;
	v3 =	vmax.f32 v3, v38;
	v4 =	vmax.f32 v4, v7  }
0x130: {  	v55 =	vmin.f32 v44, v43;
	v57 =	vmax.f32 v41, v9;
	v3 =	vmax.f32 v3, v16  }
0x131: {  	v4 =	vmax.f32 v4, v54;
	v59 =	vmax.f32 v57, v56;
	v3 =	vmax.f32 v3, v55  }
0x132: {  	v60 =	vmin.f32 v45, v46;
	v2 =	vmax.f32 v59, v2;
	v3 =	vmax.f32 v4, v3  }
0x133: {  	v2 =	vmax.f32 v2, v61;
	v3 =	vmax.f32 v3, v60;
	v62, _, _ =	vpop (xrf0)  }
0x134: {  	v63 =	vmin.f32 v49, v50;
	v2 =	vmax.f32 v3, v2;
	vm1 =	veq.s32 v62, $0x1  }
0x135: {  	v2 =	vmax.f32 v2, v63;
	vm0 =	vmand vm0, vm1  }
0x136: {  	v2 =	vsel vm0, v2, v51  }
0x137: {  	(xrf0) =	vmax.scan.msk.f32 $0xffff, v2;
	_ =	sdelay $0x5  }
0x138: {  	(v2sf) =	vpush v36, $0xF;
	v2, _, _ =	vpop (xrf0)  }
0x139: {  	(v2sf) =	vpush v2, $0xF;
	_ =	sdelay $0xd  }
.Ltmp3:
0x13a: {  	s31 =	spop (v2sf);
	(pc) =	sbr.rel @p0 .LBB2_10-.Ltmp3, $3  }
0x13b: {  	s23 =	spop (v2sf)  }
0x13c: {  	s22 =	ssub.f32 s31, s23;
	_ =	sdelay $0x1  }
0x13d: {  	v1 =	vadd.f32 s22, v1  }
0x13e: {  	s21 =	sadd.s32 $0x5, s21  }
.Ltmp4:
0x13f: {  	s22 =	sadd.s32 s4, s21;
	s21 =	sshll.u32 s21, $0x4;
	(pc) =	sbr.rel .LBB2_2-.Ltmp4, $4  }
0x140: {  	s22 =	sshll.u32 s22, $0xC;
	s21 =	sand.u32 $0x70, s21  }
0x141: {  	s22 =	sand.u32 $0x1FFF8000, s22;
	s21 =	sadd.s32 s2, s21  }
0x142: {  	s20 =	sadd.s32 $0x1, s20;
	s21 =	sadd.s32 s22, s21  }
0x143: {  	[tilespmem:s13], [sflag:$0x3] =	stream.strided.gather [hbm4b:s21+s10], $0x8000, s11, s10, $0x38;
	[tilespmem:$0x18080] =	vst v63  }
.LBB2_10:
0x144: {  	_ =	swait.ge [sflag:s14], $0x8000  }
0x145: {  	[sflag:s14] =	ssyncset.done $0x0  }
0x146: {  	s20 =	simm.s32 $0x0;
	[sflag:s14] =	ssyncadd.s32 $0xFFFF8000  }
0x147: {  	v2 =	vld [tilespmem:s20+$0x170]  }
0x148: {  	v7 =	vld [tilespmem:s20+$0x80]  }
0x149: {  	v4 =	vld [tilespmem:s20+$0x70]  }
0x14a: {  	v5 =	vld [tilespmem:s20+$0xF0]  }
0x14b: {  	v6 =	vld [tilespmem:s20+$0x60]  }
0x14c: {  	v8 =	vld [tilespmem:s20+$0x50]  }
0x14d: {  	v9 =	vld [tilespmem:s20+$0x40]  }
0x14e: {  	v10 =	vld [tilespmem:s20+$0x30]  }
0x14f: {  	v11 =	vld [tilespmem:s20+$0x90]  }
0x150: {  	v3 =	vimm.f32 $-3.000000010e+38;
	v14 =	vld [tilespmem:s20+$0xE0]  }
0x151: {  	v31 =	vld [tilespmem:s20+$0xC0];
	v15 =	vmin.f32 v3, v8;
	v8 =	vmax.f32 v3, v8;
	v17 =	vmin.f32 v3, v6  }
0x152: {  	v16 =	vld [tilespmem:s20+$0x0];
	v6 =	vmax.f32 v3, v6;
	v12 =	vmin.f32 v3, v4;
	v4 =	vmax.f32 v3, v4  }
0x153: {  	v18 =	vld [tilespmem:s20+$0x1F0];
	v13 =	vmin.f32 v3, v10;
	v21 =	vmax.f32 v3, v9;
	v26 =	vmax.f32 v3, v10  }
0x154: {  	v19 =	vld [tilespmem:s20+$0x160];
	v12 =	vmax.f32 v3, v12;
	v24 =	vmax.f32 v3, v13;
	v13 =	vmin.f32 v4, v5  }
0x155: {  	v20 =	vld [tilespmem:s20+$0xD0];
	v4 =	vmax.f32 v4, v5;
	v5 =	vmin.f32 v3, v9;
	v9 =	vmin.f32 v6, v14  }
0x156: {  	v25 =	vld [tilespmem:s20+$0x1E0];
	v15 =	vmax.f32 v3, v15;
	v36 =	vmin.f32 v21, v31;
	v12 =	vmax.f32 v12, v13  }
0x157: {  	v22 =	vld [tilespmem:s20+$0x150];
	v10 =	vmin.f32 v4, v2;
	v23 =	vmax.f32 v4, v2;
	v2 =	vmin.f32 v3, v16  }
0x158: {  	v29 =	vld [tilespmem:s20+$0x1D0];
	v30 =	vmax.f32 v3, v5;
	v5 =	vmax.f32 v3, v17;
	v16 =	vmax.f32 v3, v16  }
0x159: {  	v13 =	vld [tilespmem:s20+$0x10];
	v4 =	vmax.f32 v12, v10;
	v10 =	vmin.f32 v23, v18;
	v12 =	vmax.f32 v3, v2  }
0x15a: {  	v32 =	vld [tilespmem:s20+$0x140];
	v5 =	vmax.f32 v5, v9;
	v17 =	vmin.f32 v16, v7;
	v37 =	vmax.f32 v30, v36  }
0x15b: {  	v27 =	vld [tilespmem:s20+$0x110];
	v2 =	vmax.f32 v4, v10;
	v10 =	vmin.f32 v8, v20;
	v8 =	vmax.f32 v8, v20  }
0x15c: {  	v9 =	vld [tilespmem:s20+$0xB0];
	v20 =	vmin.f32 v8, v22;
	v10 =	vmax.f32 v15, v10;
	v15 =	vmax.f32 v6, v14  }
0x15d: {  	v35 =	vld [tilespmem:s20+$0x1C0];
	v8 =	vmax.f32 v8, v22;
	v33 =	vmax.f32 v10, v20;
	v14 =	vmax.f32 v15, v19  }
0x15e: {  	v30 =	vld [tilespmem:s20+$0x100];
	v34 =	vmin.f32 v8, v29;
	v10 =	vmax.f32 v23, v18;
	v28 =	vmax.f32 v3, v13  }
0x15f: {  	v20 =	vld [tilespmem:s20+$0x190];
	v6 =	vmax.f32 v14, v25;
	v14 =	vmin.f32 v14, v25;
	v22 =	vmin.f32 v28, v11  }
0x160: {  	v23 =	vld [tilespmem:s20+$0x20];
	v28 =	vmax.f32 v28, v11;
	v11 =	vmax.f32 v8, v29;
	v8 =	vmax.f32 v21, v31  }
0x161: {  	v31 =	vld [tilespmem:s20+$0x130];
	v25 =	vmin.f32 v26, v9;
	v21 =	vmin.f32 v15, v19;
	v36 =	vmax.f32 v26, v9  }
0x162: {  	v19 =	vld [tilespmem:s20+$0x1B0];
	v9 =	vmax.f32 v33, v34;
	v29 =	vmax.f32 v16, v7;
	v7 =	vimm.f32 $-3.000000010e+38  }
0x163: {  	v33 =	vld [tilespmem:s20+$0xA0];
	v16 =	vimm.f32 $-3.000000010e+38;
	v15 =	vimm.f32 $-3.000000010e+38;
	v38 =	vmin.f32 v8, v32  }
0x164: {  	v4 =	vld [tilespmem:s20+$0x180];
	v26 =	vmax.f32 v28, v27;
	v18 =	vmax.f32 v8, v32;
	v32 =	vmax.f32 v24, v25  }
0x165: {  	s21 =	simm.s32 $0x800;
	v34 =	vld [tilespmem:s20+$0x120];
	v24 =	vmax.f32 v37, v38;
	v25 =	vmin.f32 v18, v35;
	v8 =	vmax.f32 v26, v20  }
.LBB2_11:
0x166: {  	p0 =	sne.s32 s21, $0x1F800;
	v27 =	vmin.f32 v28, v27;
	v28 =	vmin.f32 v36, v31;
	v37 =	vld [tilespmem:s20+$0x1A0];
	s20 =	sshra.s32 s21, $0x2;
	s21 =	sadd.s32 $0x800, s21;
	v35 =	vmax.f32 v18, v35  }
0x167: {  	v39 =	vmin.f32 v3, v23;
	v3 =	vmax.f32 v3, v23;
	v23 =	vmax.f32 v36, v31;
	v38 =	vld [tilespmem:s20+$0x170]  }
0x168: {  	v13 =	vmin.f32 v7, v13;
	v7 =	vmovc v8;
	v36 =	vmax.f32 v23, v19;
	v18 =	vld [tilespmem:s20+$0x80];
	v31 =	vmin.f32 v3, v33  }
0x169: {  	v12 =	vmax.f32 v12, v17;
	v13 =	vmax.f32 v16, v13;
	v3 =	vmax.f32 v3, v33;
	v40 =	vld [tilespmem:s20+$0x70]  }
0x16a: {  	v15 =	vmax.f32 v15, v39;
	v13 =	vmax.f32 v13, v22;
	v17 =	vld [tilespmem:s20+$0xF0];
	v16 =	vmin.f32 v3, v34  }
0x16b: {  	v28 =	vmax.f32 v32, v28;
	v33 =	vmin.f32 v29, v30;
	v29 =	vmax.f32 v29, v30;
	v22 =	vld [tilespmem:s20+$0x60]  }
0x16c: {  	v20 =	vmin.f32 v26, v20;
	v12 =	vmax.f32 v12, v33;
	v3 =	vmax.f32 v3, v34;
	v30 =	vld [tilespmem:s20+$0x50]  }
0x16d: {  	v15 =	vmax.f32 v15, v31;
	v31 =	vmin.f32 v29, v4;
	v32 =	vmin.f32 v3, v37;
	v26 =	vld [tilespmem:s20+$0x40]  }
0x16e: {  	v13 =	vmax.f32 v13, v27;
	v15 =	vmax.f32 v15, v16;
	v3 =	vmax.f32 v3, v37;
	v33 =	vld [tilespmem:s20+$0x90]  }
0x16f: {  	v29 =	vmax.f32 v29, v4;
	v16 =	vmax.f32 v13, v20;
	v20 =	vmax.f32 v24, v25;
	v27 =	vld [tilespmem:s20+$0x30]  }
0x170: {  	v4 =	vmax.f32 v5, v21;
	v5 =	vmin.f32 v23, v19;
	v15 =	vmax.f32 v15, v32;
	v24 =	vld [tilespmem:s20+$0x160]  }
0x171: {  	v12 =	vmax.f32 v12, v31;
	v19 =	vmin.f32 v11, v30;
	v11 =	vmax.f32 v11, v30;
	v21 =	vld [tilespmem:s20+$0xE0]  }
0x172: {  	v5 =	vmax.f32 v28, v5;
	v30 =	vmin.f32 v6, v22;
	v6 =	vmax.f32 v6, v22;
	v25 =	vld [tilespmem:s20+$0x0]  }
0x173: {  	v14 =	vmax.f32 v4, v14;
	v13 =	vmin.f32 v10, v40;
	v10 =	vmax.f32 v10, v40;
	v31 =	vld [tilespmem:s20+$0x1F0]  }
0x174: {  	v2 =	vmax.f32 v2, v13;
	v32 =	vmax.f32 v35, v26;
	v4 =	vmin.f32 v36, v27;
	v34 =	vld [tilespmem:s20+$0x1E0]  }
0x175: {  	v37 =	vmax.f32 v5, v4;
	v5 =	vld [tilespmem:s20+$0xD0];
	v4 =	vmin.f32 v10, v17;
	v10 =	vmax.f32 v10, v17  }
0x176: {  	v17 =	vmin.f32 v35, v26;
	v22 =	vmin.f32 v6, v21;
	v2 =	vmax.f32 v2, v4;
	v26 =	vld [tilespmem:s20+$0x150]  }
0x177: {  	v36 =	vmax.f32 v36, v27;
	v4 =	vmin.f32 v10, v38;
	v10 =	vmax.f32 v10, v38;
	v38 =	vld [tilespmem:s20+$0x1D0]  }
0x178: {  	v23 =	vmin.f32 v29, v25;
	v2 =	vmax.f32 v2, v4;
	v13 =	vld [tilespmem:s20+$0x10];
	v27 =	vmin.f32 v10, v31  }
0x179: {  	v9 =	vmax.f32 v9, v19;
	v12 =	vmax.f32 v12, v23;
	v4 =	vld [tilespmem:s20+$0x180];
	v2 =	vmax.f32 v2, v27  }
0x17a: {  	v14 =	vmax.f32 v14, v30;
	v19 =	vmax.f32 v20, v17;
	v23 =	vld [tilespmem:s20+$0x20];
	v20 =	vmin.f32 v11, v5  }
0x17b: {  	v25 =	vmax.f32 v29, v25;
	v11 =	vmax.f32 v11, v5;
	v5 =	vmax.f32 v14, v22;
	v29 =	vld [tilespmem:s20+$0xC0]  }
0x17c: {  	v17 =	vmin.f32 v25, v18;
	v14 =	vmin.f32 v11, v26;
	v11 =	vmax.f32 v11, v26;
	v30 =	vld [tilespmem:s20+$0xB0]  }
0x17d: {  	v21 =	vmax.f32 v6, v21;
	v9 =	vmax.f32 v9, v20;
	v8 =	vmax.f32 v8, v13;
	v39 =	vld [tilespmem:s20+$0x140]  }
0x17e: {  	v9 =	vmax.f32 v9, v14;
	v14 =	vmax.f32 v21, v24;
	v22 =	vmin.f32 v8, v33;
	v27 =	vld [tilespmem:s20+$0x110]  }
0x17f: {  	v6 =	vmax.f32 v14, v34;
	v28 =	vmax.f32 v8, v33;
	v8 =	vmin.f32 v11, v38;
	v20 =	vld [tilespmem:s20+$0x190]  }
0x180: {  	v10 =	vmax.f32 v10, v31;
	v11 =	vmax.f32 v11, v38;
	v26 =	vmin.f32 v32, v29;
	v35 =	vld [tilespmem:s20+$0x1C0]  }
.Ltmp5:
0x181: {  	v14 =	vmin.f32 v14, v34;
	v32 =	vmax.f32 v32, v29;
	v38 =	vmax.f32 v19, v26;
	v31 =	vld [tilespmem:s20+$0x130];
	(pc) =	sbr.rel @p0 .LBB2_11-.Ltmp5, $4  }
0x182: {  	v21 =	vmin.f32 v21, v24;
	v34 =	vmin.f32 v36, v30;
	v40 =	vmin.f32 v32, v39;
	v19 =	vld [tilespmem:s20+$0x1B0]  }
0x183: {  	v9 =	vmax.f32 v9, v8;
	v36 =	vmax.f32 v36, v30;
	v33 =	vld [tilespmem:s20+$0xA0];
	v26 =	vmax.f32 v28, v27  }
0x184: {  	v29 =	vmax.f32 v25, v18;
	v18 =	vmax.f32 v32, v39;
	v30 =	vld [tilespmem:s20+$0x100];
	v8 =	vmax.f32 v26, v20  }
0x185: {  	v32 =	vmax.f32 v37, v34;
	v24 =	vmax.f32 v38, v40;
	v34 =	vld [tilespmem:s20+$0x120];
	v25 =	vmin.f32 v18, v35  }
0x186: {  	v37 =	vld [tilespmem:s20+$0x1A0];
	_ =	sdelay $0x1  }
0x187: {  	v38 =	vmax.f32 v3, v23  }
0x188: {  	v18 =	vmax.f32 v18, v35;
	v40 =	vmax.f32 v36, v31;
	v62 =	vmax.f32 v38, v33  }
0x189: {  	v48 =	vmax.f32 v6, v10;
	v39 =	vmax.f32 v29, v30;
	v41 =	vmax.f32 v62, v34  }
0x18a: {  	v43 =	vmax.f32 v40, v19;
	v42 =	vmax.f32 v39, v4;
	v44 =	vmax.f32 v41, v37  }
0x18b: {  	v47 =	vmax.f32 v18, v11;
	v45 =	vmax.f32 v42, v8;
	v46 =	vmax.f32 v44, v43  }
0x18c: {  	v50 =	vmax.f32 v47, v48;
	v49 =	vmax.f32 v45, v46  }
0x18d: {  	v51 =	vmax.f32 v49, v50  }
0x18e: {  	(xrf0) =	vmax.scan.msk.f32 $0xffff, v51  }
0x18f: {  	v27 =	vmin.f32 v28, v27  }
0x190: {  	v63 =	vmin.f32 v36, v31;
	v3 =	vmin.f32 v3, v23;
	v7 =	vmin.f32 v7, v13  }
0x191: {  	v12 =	vmax.f32 v12, v17;
	v5 =	vmax.f32 v5, v21;
	v58 =	vmin.f32 v6, v10  }
0x192: {  	v7 =	vmax.f32 v16, v7;
	v3 =	vmax.f32 v15, v3;
	v52 =	vmin.f32 v40, v19  }
0x193: {  	v5 =	vmax.f32 v5, v14;
	v56 =	vmin.f32 v18, v11;
	v23 =	vmin.f32 v38, v33  }
0x194: {  	v7 =	vmax.f32 v7, v22;
	v33 =	vmax.f32 v32, v63;
	v2 =	vmax.f32 v5, v2;
	v36, _, _ =	vpop (xrf0)  }
0x195: {  	v61 =	vmin.f32 v47, v48;
	v35 =	vmin.f32 v39, v4;
	v39 =	vbroadcast v36, $0xF  }
0x196: {  	v30 =	vmin.f32 v29, v30;
	v3 =	vmax.f32 v3, v23;
	v7 =	vmax.f32 v7, v27  }
0x197: {  	v16 =	vmax.f32 v33, v52;
	v2 =	vmax.f32 v2, v58;
	vm0 =	veq.f32 v51, v39  }
0x198: {  	v31 =	vmin.f32 v62, v34;
	v12 =	vmax.f32 v12, v30;
	v53 =	vsel vm0, $0x1, v0  }
0x199: {  	v34 =	vmin.f32 v26, v20;
	v38 =	vmin.f32 v41, v37;
	v3 =	vmax.f32 v3, v31;
	(xrf0) =	vadd.scan.msk.s32 $0xffff, v53  }
0x19a: {  	v7 =	vmax.f32 v7, v34;
	v41 =	vmax.f32 v24, v25;
	v4 =	vmax.f32 v12, v35  }
0x19b: {  	v54 =	vmin.f32 v42, v8;
	v3 =	vmax.f32 v3, v38;
	v4 =	vmax.f32 v4, v7  }
0x19c: {  	v55 =	vmin.f32 v44, v43;
	v57 =	vmax.f32 v41, v9;
	v3 =	vmax.f32 v3, v16  }
0x19d: {  	v4 =	vmax.f32 v4, v54;
	v59 =	vmax.f32 v57, v56;
	v3 =	vmax.f32 v3, v55  }
0x19e: {  	v60 =	vmin.f32 v45, v46;
	v2 =	vmax.f32 v59, v2;
	v3 =	vmax.f32 v4, v3  }
0x19f: {  	v2 =	vmax.f32 v2, v61;
	v3 =	vmax.f32 v3, v60;
	v62, _, _ =	vpop (xrf0)  }
0x1a0: {  	v63 =	vmin.f32 v49, v50;
	v2 =	vmax.f32 v3, v2;
	vm1 =	veq.s32 v62, $0x1  }
0x1a1: {  	v2 =	vmax.f32 v2, v63;
	vm0 =	vmand vm0, vm1  }
0x1a2: {  	v2 =	vsel vm0, v2, v51  }
0x1a3: {  	(xrf0) =	vmax.scan.msk.f32 $0xffff, v2;
	_ =	sdelay $0x5  }
0x1a4: {  	(v2sf) =	vpush v36, $0xF;
	v2, _, _ =	vpop (xrf0)  }
0x1a5: {  	(v2sf) =	vpush v2, $0xF;
	_ =	sdelay $0xd  }
0x1a6: {  	s31 =	spop (v2sf)  }
0x1a7: {  	s21 =	spop (v2sf)  }
0x1a8: {  	s20 =	ssub.f32 s31, s21;
	_ =	sdelay $0x1  }
0x1a9: {  	s19 =	sadd.s32 $0x1, s19;
	v1 =	vadd.f32 s20, v1  }
0x1aa: {  	p0 =	sne.s32 s19, s9  }
.Ltmp6:
0x1ab: {  	[tilespmem:$0x18000] =	vst v1;
	(pc) =	sbr.rel @p0 .LBB2_1-.Ltmp6, $4  }
0x1ac: {  	[hbm4b:s8+s3] =	stream.linear.scatter [tilespmem:s17], [sflag:$0x4], $0x80, $0x38;
	[tilespmem:$0x18080] =	vst v63  }
0x1ad: {  	_ =	swait.ge [sflag:s18], $0x80  }
0x1ae: {  	[sflag:s18] =	ssyncset.done $0x0  }
0x1af: {  	[sflag:s18] =	ssyncadd.s32 $0xFFFFFF80  }
0x1b0: {  	_ =	sfence.sel $0x180000  }
0x1b1: {  	[bflag:$0x0] =	sbarrier.arrive $0xFFFF  }
0x1b2: {  	p0 =	sne.s32 s1, $0x0;
	_ =	strace $0x90000047  }
0x1b3: {  	s0 =	sadd.s32 @!p0 $0x100000, s0;
	[bflag:$0x2] =	sbarrier.arrive $0xFFFF  }
0x1b4: {  	[sflag:s0] =	ssyncadd.tile.s32 @!p0 $0x1;
	_ =	shalt  }
.Lfunc_end2:
_tile_overlayer_lowered:
.L_overlay_start_2:
0x1b5: {  	(tag) =	ssettag $0x2  }
0x1b6: {  	s0 =	rddreg [dreg:$0x0];
	s2 =	stileid.u32  }
0x1b7: {  	s1 =	rddreg [dreg:$0x1];
	p0 =	sne.s32 s2, $0x0  }
0x1b8: {  	s3 =	rddreg [dreg:$0x2];
	[bflag:$0x3] =	sbarrier.arrive $0xFFFF;
	s2 =	simm.s32 @!p0 $0x1C04  }
0x1b9: {  	[timem:s3], [sflag:s2] =	dma.local @!p0 [hbm:s0], s1  }
0x1ba: {  	s0 =	simm.s32 @!p0 $0x4  }
0x1bb: {  	_ =	swait.ge @!p0 [sflag:s0], s1  }
0x1bc: {  	s1 =	ssub.s32 @!p0 $0x0, s1;
	[sflag:s0] =	ssyncset.done @!p0 $0x0  }
0x1bd: {  	[sflag:s0] =	ssyncadd.s32 @!p0 s1  }
0x1be: {  	[bflag:$0x3] =	sbarrier.arrive $0xFFFF  }
0x1bf: {  	_ =	shalt  }

</sc_bundles>
